<compile_context>
chip_gen: v7x
topology: tpu7x:2x2x1
jax: 0.10.2.dev20260603
libtpu: 0.0.44.dev20260713+nightly
codegen_flags: <defaults>
</compile_context>

<pallas_src>
import functools

import jax
import jax.numpy as jnp
import numpy as np
from jax import lax
from jax.experimental import pallas as pl
from jax.experimental.pallas import tpu as pltpu
from jax.experimental.pallas import tpu_sc as plsc

LANES = 16
NUM_WORKERS = 32
SUB = 400
KSUB = 1
BLOCK = SUB * KSUB
NODE_CHUNK = BLOCK


def _sc_body(x_hbm, h_hbm, j_hbm, ii_hbm, ij_hbm, out_hbm, *scratch):
    (ii0, ii1, ij0, ij1, jv0, jv1, xi0, xi1, xj0, xj1,
     out_v, x_sp, sl0, sl1, sg0, sg1, sn) = scratch
    slots = ((ii0, ij0, jv0, xi0, xj0, sl0, sg0),
             (ii1, ij1, jv1, xi1, xj1, sl1, sg1))

    wid = lax.axis_index("s") * 2 + lax.axis_index("c")
    np_total = x_hbm.shape[0]
    n_stage = x_sp.shape[0]
    m_total = ii_hbm.shape[0] * SUB
    nodes_pw = np_total // NUM_WORKERS
    node_chunks = nodes_pw // NODE_CHUNK
    nb = m_total // (NUM_WORKERS * BLOCK)
    node_base = wid * nodes_pw

    sid = lax.axis_index("s")
    rows_per_sub = n_stage // 16
    soff = sid * rows_per_sub
    pltpu.async_copy(x_hbm.at[pl.ds(soff, rows_per_sub)],
                     x_sp.at[pl.ds(soff, rows_per_sub)], sn).wait()

    def node_chunk_body(c, acc):
        off = node_base + c * NODE_CHUNK
        cp0 = pltpu.async_copy(x_hbm.at[pl.ds(off, NODE_CHUNK)], xi0, sn)
        cp1 = pltpu.async_copy(
            h_hbm.at[pl.ds(off // NODE_CHUNK, 1)], jv0, sn)
        cp0.wait()
        cp1.wait()

        def n_body(g, a):
            hv = jv0[0, pl.ds(g * LANES, LANES)]
            for k in range(LANES):
                a = a + hv[k] * xi0[g * LANES + k, :]
            return a

        return lax.fori_loop(0, NODE_CHUNK // LANES, n_body, acc)

    acc = lax.fori_loop(0, node_chunks, node_chunk_body,
                        jnp.zeros((LANES,), jnp.float32))

    plsc.subcore_barrier()

    def lin_descrs(g, slot):
        ii_v, ij_v, jv_v, _, _, sl, _ = slots[slot]
        bid = wid * nb + g
        return (pltpu.make_async_copy(ii_hbm.at[pl.ds(bid * KSUB, KSUB)],
                                      ii_v, sl),
                pltpu.make_async_copy(ij_hbm.at[pl.ds(bid * KSUB, KSUB)],
                                      ij_v, sl),
                pltpu.make_async_copy(j_hbm.at[pl.ds(bid, 1)], jv_v, sl))

    def gat_descrs(slot):
        ii_v, ij_v, _, xi_v, xj_v, _, sg = slots[slot]
        ds = []
        for k in range(KSUB):
            dst_i = xi_v.at[pl.ds(k * SUB, SUB)]
            dst_j = xj_v.at[pl.ds(k * SUB, SUB)]
            ds.append(pltpu.make_async_copy(x_sp.at[ii_v.at[k]], dst_i, sg))
            ds.append(pltpu.make_async_copy(x_sp.at[ij_v.at[k]], dst_j, sg))
        return ds

    def issue_lin(g, slot):
        for d in lin_descrs(g, slot):
            d.start()

    def wait_lin(g, slot):
        for d in lin_descrs(g, slot):
            d.wait()

    def issue_gat(slot):
        for d in gat_descrs(slot):
            d.start()

    def wait_gat(slot):
        for d in gat_descrs(slot):
            d.wait()

    def blk_compute(slot, acc):
        _, _, jv_v, xi_v, xj_v, _, _ = slots[slot]

        def e_body(g2, a):
            jv = jv_v[0, pl.ds(g2 * LANES, LANES)]
            for k in range(LANES):
                e = g2 * LANES + k
                a = a + jv[k] * (xi_v[e, :] * xj_v[e, :])
            return a

        return lax.fori_loop(0, BLOCK // LANES, e_body, acc)

    issue_lin(0, 0)
    wait_lin(0, 0)
    issue_gat(0)
    issue_lin(1, 1)

    def pair_body(p, acc):
        g0 = 2 * p
        wait_gat(0)
        wait_lin(g0 + 1, 1)
        issue_gat(1)
        acc = blk_compute(0, acc)

        @pl.when(g0 + 2 < nb)
        def _():
            issue_lin(g0 + 2, 0)

        wait_gat(1)

        @pl.when(g0 + 2 < nb)
        def _():
            wait_lin(g0 + 2, 0)
            issue_gat(0)

        acc = blk_compute(1, acc)

        @pl.when(g0 + 3 < nb)
        def _():
            issue_lin(g0 + 3, 1)

        return acc

    acc = lax.fori_loop(0, nb // 2, pair_body, acc)

    out_v[:] = acc
    pltpu.async_copy(out_v, out_hbm.at[wid], sn).wait()


def _round_up(v, m):
    return (v + m - 1) // m * m


@functools.partial(jax.jit, static_argnums=(5,))
def _run(x_t, h_p, j_p, ii_p, ij_p, n_stage):
    run = pl.kernel(
        _sc_body,
        out_type=jax.ShapeDtypeStruct((NUM_WORKERS, LANES), jnp.float32),
        mesh=plsc.VectorSubcoreMesh(core_axis_name="c", subcore_axis_name="s"),
        compiler_params=pltpu.CompilerParams(use_tc_tiling_on_sc=False),
        scratch_types=[
            pltpu.VMEM((KSUB, SUB), jnp.int32),
            pltpu.VMEM((KSUB, SUB), jnp.int32),
            pltpu.VMEM((KSUB, SUB), jnp.int32),
            pltpu.VMEM((KSUB, SUB), jnp.int32),
            pltpu.VMEM((1, BLOCK), jnp.float32),
            pltpu.VMEM((1, BLOCK), jnp.float32),
            pltpu.VMEM((BLOCK, LANES), jnp.float32),
            pltpu.VMEM((BLOCK, LANES), jnp.float32),
            pltpu.VMEM((BLOCK, LANES), jnp.float32),
            pltpu.VMEM((BLOCK, LANES), jnp.float32),
            pltpu.VMEM((LANES,), jnp.float32),
            pltpu.VMEM_SHARED((n_stage, LANES), jnp.float32),
            pltpu.SemaphoreType.DMA,
            pltpu.SemaphoreType.DMA,
            pltpu.SemaphoreType.DMA,
            pltpu.SemaphoreType.DMA,
            pltpu.SemaphoreType.DMA,
        ],
    )
    partials = run(x_t, h_p, j_p, ii_p, ij_p)
    return partials.sum(axis=0)


def kernel(x, h, J, edge_idx_i, edge_idx_j):
    B, N = x.shape
    M = J.shape[0]
    assert B == LANES
    NP = _round_up(N, NUM_WORKERS * NODE_CHUNK)
    NSTAGE = _round_up(N, 16)
    MP = _round_up(M, NUM_WORKERS * BLOCK * 2)
    x_t = jnp.zeros((NP, B), jnp.float32).at[:N].set(x.T)
    h_p = jnp.zeros((NP,), jnp.float32).at[:N].set(h)
    if MP != M:
        J = jnp.zeros((MP,), jnp.float32).at[:M].set(J)
        edge_idx_i = jnp.zeros((MP,), jnp.int32).at[:M].set(edge_idx_i)
        edge_idx_j = jnp.zeros((MP,), jnp.int32).at[:M].set(edge_idx_j)
    h_2d = h_p.reshape(NP // NODE_CHUNK, NODE_CHUNK)
    j_2d = J.reshape(MP // BLOCK, BLOCK)
    ii_2d = edge_idx_i.reshape(MP // SUB, SUB)
    ij_2d = edge_idx_j.reshape(MP // SUB, SUB)
    return _run(x_t, h_2d, j_2d, ii_2d, ij_2d, NSTAGE)

# --- scband reference (transcript-rebuilt; emitter-appended) ---
"""Pipeline reference for scband-graph-restricted-boltzmann-machine-8203387535980 (READ-ONLY COPY).

The authoritative reference and input builder live on the scoring server;
editing this copy changes nothing except your own understanding.
"""

import jax, jax.numpy as jnp
import numpy as np

N_NODES = 100000
N_EDGES = 3200000
BATCH = 16


def setup_inputs(seed: int = 0) -> dict:
    key = jax.random.key(seed)
    k1, k2, k3, k4, k5 = jax.random.split(key, 5)
    x = jax.random.normal(k1, (BATCH, N_NODES), dtype=jnp.float32)
    edge_idx_i = jax.random.randint(k2, (N_EDGES,), 0, N_NODES, dtype=jnp.int32)
    edge_idx_j = jax.random.randint(k3, (N_EDGES,), 0, N_NODES, dtype=jnp.int32)
    # Parameters as built in __init__: h = 0.05*(2*randint(0,2,(n,))-1), J = 5.0*(2*randint(0,2,(m,))-1)
    h = 0.05 * (2.0 * jax.random.randint(k4, (N_NODES,), 0, 2).astype(jnp.float32) - 1.0)
    J = 5.0 * (2.0 * jax.random.randint(k5, (N_EDGES,), 0, 2).astype(jnp.float32) - 1.0)
    return {"x": x, "h": h, "J": J, "edge_idx_i": edge_idx_i, "edge_idx_j": edge_idx_j}


def reference(x, h, J, edge_idx_i, edge_idx_j):
    # interactions(x): x[..., ei] * x[..., ej]  -> (B, M)   [gather-dominated]
    interactions = jnp.take(x, edge_idx_i, axis=1) * jnp.take(x, edge_idx_j, axis=1)
    # sufficient_statistics(x): cat([x, interactions], dim=1) -> (B, N+M)
    stats = jnp.concatenate([x, interactions], axis=1)
    # theta: cat([h, J]) -> (N+M,)
    theta = jnp.concatenate([h, J], axis=0)
    # Hamiltonian: stats @ theta -> (B,)
    return stats @ theta

if __name__ == "__main__":
    import jax
    _d = setup_inputs()
    print(jax.jit(kernel)(*tuple(_d.values())))

</pallas_src>

<mosaic_0001>
#map = affine_map<(d0, d1) -> (0, 0)>
module attributes {stable_mosaic.version = 14 : i64} {
  func.func @_sc_body(%arg0: i32, %arg1: i32, %arg2: memref<102400x16xf32, #tpu.memory_space<hbm>>, %arg3: memref<256x400xf32, #tpu.memory_space<hbm>>, %arg4: memref<8000x400xf32, #tpu.memory_space<hbm>>, %arg5: memref<8000x400xi32, #tpu.memory_space<hbm>>, %arg6: memref<8000x400xi32, #tpu.memory_space<hbm>>, %arg7: memref<32x16xf32, #tpu.memory_space<hbm>>, %arg8: memref<1x400xi32, #tpu.memory_space<vmem>>, %arg9: memref<1x400xi32, #tpu.memory_space<vmem>>, %arg10: memref<1x400xi32, #tpu.memory_space<vmem>>, %arg11: memref<1x400xi32, #tpu.memory_space<vmem>>, %arg12: memref<1x400xf32, #tpu.memory_space<vmem>>, %arg13: memref<1x400xf32, #tpu.memory_space<vmem>>, %arg14: memref<400x16xf32, #tpu.memory_space<vmem>>, %arg15: memref<400x16xf32, #tpu.memory_space<vmem>>, %arg16: memref<400x16xf32, #tpu.memory_space<vmem>>, %arg17: memref<400x16xf32, #tpu.memory_space<vmem>>, %arg18: memref<16xf32, #tpu.memory_space<vmem>>, %arg19: memref<100000x16xf32, #tpu.memory_space<vmem_shared>>, %arg20: memref<!tpu.dma_semaphore, #tpu.memory_space<semaphore_mem>>, %arg21: memref<!tpu.dma_semaphore, #tpu.memory_space<semaphore_mem>>, %arg22: memref<!tpu.dma_semaphore, #tpu.memory_space<semaphore_mem>>, %arg23: memref<!tpu.dma_semaphore, #tpu.memory_space<semaphore_mem>>, %arg24: memref<!tpu.dma_semaphore, #tpu.memory_space<semaphore_mem>>) attributes {dimension_semantics = [#tpu.dimension_semantics<core_parallel>, #tpu.dimension_semantics<subcore_parallel>], iteration_bounds = array<i64: 2, 16>, scalar_prefetch = 0 : i64, scratch_operands = 17 : i64, tpu.core_type = #tpu.core_type<sc_vector_subcore>, window_params = [{transform_indices = #map}, {transform_indices = #map}, {transform_indices = #map}, {transform_indices = #map}, {transform_indices = #map}, {transform_indices = #map}]} {
    %mul3A = arith.constant 2 : i32
    %mul3A_0 = arith.muli %arg1, %mul3A : i32
    %add3A = arith.addi %mul3A_0, %arg0 : i32
    %mul3A_1 = arith.constant 3200 : i32
    %mul3A_2 = arith.muli %add3A, %mul3A_1 : i32
    %mul3A_3 = arith.constant 6250 : i32
    %mul3A_4 = arith.muli %arg1, %mul3A_3 : i32
    %dma_start3A = arith.constant 0 : i32
    %dma_start3A_5 = tpu.memref_slice %arg19[%mul3A_4, %dma_start3A] : memref<100000x16xf32, #tpu.memory_space<vmem_shared>> -> memref<6250x16xf32, #tpu.memory_space<vmem_shared>>
    %dma_start3A_6 = arith.constant 0 : i32
    %dma_start3A_7 = tpu.memref_slice %arg2[%mul3A_4, %dma_start3A_6] : memref<102400x16xf32, #tpu.memory_space<hbm>> -> memref<6250x16xf32, #tpu.memory_space<hbm>>
    tpu.enqueue_dma source(%dma_start3A_7 : memref<6250x16xf32, #tpu.memory_space<hbm>>) target(%dma_start3A_5 : memref<6250x16xf32, #tpu.memory_space<vmem_shared>>) target_semaphore(%arg24 : memref<!tpu.dma_semaphore, #tpu.memory_space<semaphore_mem>>)
    %dma_wait3A = arith.constant 0 : i32
    %dma_wait3A_8 = tpu.memref_slice %arg19[%mul3A_4, %dma_wait3A] : memref<100000x16xf32, #tpu.memory_space<vmem_shared>> -> memref<6250x16xf32, #tpu.memory_space<vmem_shared>>
    %dma_wait3A_9 = arith.constant 0 : i32
    %dma_wait3A_10 = tpu.memref_slice %arg2[%mul3A_4, %dma_wait3A_9] : memref<102400x16xf32, #tpu.memory_space<hbm>> -> memref<6250x16xf32, #tpu.memory_space<hbm>>
    tpu.wait_dma2 semaphore(%arg24 : memref<!tpu.dma_semaphore, #tpu.memory_space<semaphore_mem>>) src(%dma_wait3A_10 : memref<6250x16xf32, #tpu.memory_space<hbm>>) dst(%dma_wait3A_8 : memref<6250x16xf32, #tpu.memory_space<vmem_shared>>)
    %broadcast_in_dim3A = arith.constant 0.000000e+00 : f32
    %broadcast_in_dim3A_11 = vector.broadcast %broadcast_in_dim3A : f32 to vector<16xf32>
    %scan3A = arith.constant 0 : i32
    %scan3A_12 = arith.constant 8 : i32
    %scan3A_13 = arith.addi %scan3A, %scan3A_12 : i32
    %scan3A_14 = arith.constant 1 : i32
    %scan3A_15 = scf.for %scan3A_118 = %scan3A to %scan3A_13 step %scan3A_14 iter_args(%scan3A_119 = %broadcast_in_dim3A_11) -> (vector<16xf32>)  : i32 {
      %mul3A_120 = arith.constant 400 : i32
      %mul3A_121 = arith.muli %scan3A_118, %mul3A_120 : i32
      %add3A_122 = arith.addi %mul3A_2, %mul3A_121 : i32
      %dma_start3A_123 = arith.constant 0 : i32
      %dma_start3A_124 = tpu.memref_slice %arg2[%add3A_122, %dma_start3A_123] : memref<102400x16xf32, #tpu.memory_space<hbm>> -> memref<400x16xf32, #tpu.memory_space<hbm>>
      %dma_start3A_125 = arith.constant 0 : i32
      %dma_start3A_126 = tpu.memref_slice %arg2[%add3A_122, %dma_start3A_125] : memref<102400x16xf32, #tpu.memory_space<hbm>> -> memref<400x16xf32, #tpu.memory_space<hbm>>
      tpu.enqueue_dma source(%dma_start3A_126 : memref<400x16xf32, #tpu.memory_space<hbm>>) target(%arg14 : memref<400x16xf32, #tpu.memory_space<vmem>>) target_semaphore(%arg24 : memref<!tpu.dma_semaphore, #tpu.memory_space<semaphore_mem>>)
      %jit3A = arith.constant 400 : i32
      %div3A = arith.divsi %add3A_122, %jit3A : i32
      %sign3A = arith.constant 0 : i32
      %sign3A_127 = arith.cmpi sgt, %add3A_122, %sign3A : i32
      %sign3A_128 = arith.extui %sign3A_127 : i1 to i32
      %sign3A_129 = arith.constant 0 : i32
      %sign3A_130 = arith.cmpi slt, %add3A_122, %sign3A_129 : i32
      %sign3A_131 = arith.extui %sign3A_130 : i1 to i32
      %sign3A_132 = arith.subi %sign3A_128, %sign3A_131 : i32
      %sign3A_133 = arith.constant 0 : i32
      %sign3A_134 = arith.cmpi sgt, %jit3A, %sign3A_133 : i32
      %sign3A_135 = arith.extui %sign3A_134 : i1 to i32
      %sign3A_136 = arith.constant 0 : i32
      %sign3A_137 = arith.cmpi slt, %jit3A, %sign3A_136 : i32
      %sign3A_138 = arith.extui %sign3A_137 : i1 to i32
      %sign3A_139 = arith.subi %sign3A_135, %sign3A_138 : i32
      %ne3A = arith.cmpi ne, %sign3A_132, %sign3A_139 : i32
      %rem3A = arith.remsi %add3A_122, %jit3A : i32
      %ne3A_140 = arith.constant 0 : i32
      %ne3A_141 = arith.cmpi ne, %rem3A, %ne3A_140 : i32
      %and3A = arith.andi %ne3A, %ne3A_141 : i1
      %sub3A = arith.constant 1 : i32
      %sub3A_142 = arith.subi %div3A, %sub3A : i32
      %select_n3A = arith.select %and3A, %sub3A_142, %div3A : i32
      %dma_start3A_143 = arith.constant 0 : i32
      %dma_start3A_144 = tpu.memref_slice %arg3[%select_n3A, %dma_start3A_143] : memref<256x400xf32, #tpu.memory_space<hbm>> -> memref<1x400xf32, #tpu.memory_space<hbm>>
      %dma_start3A_145 = arith.constant 0 : i32
      %dma_start3A_146 = tpu.memref_slice %arg3[%select_n3A, %dma_start3A_145] : memref<256x400xf32, #tpu.memory_space<hbm>> -> memref<1x400xf32, #tpu.memory_space<hbm>>
      tpu.enqueue_dma source(%dma_start3A_146 : memref<1x400xf32, #tpu.memory_space<hbm>>) target(%arg12 : memref<1x400xf32, #tpu.memory_space<vmem>>) target_semaphore(%arg24 : memref<!tpu.dma_semaphore, #tpu.memory_space<semaphore_mem>>)
      %dma_wait3A_147 = arith.constant 0 : i32
      %dma_wait3A_148 = tpu.memref_slice %arg2[%add3A_122, %dma_wait3A_147] : memref<102400x16xf32, #tpu.memory_space<hbm>> -> memref<400x16xf32, #tpu.memory_space<hbm>>
      %dma_wait3A_149 = arith.constant 0 : i32
      %dma_wait3A_150 = tpu.memref_slice %arg2[%add3A_122, %dma_wait3A_149] : memref<102400x16xf32, #tpu.memory_space<hbm>> -> memref<400x16xf32, #tpu.memory_space<hbm>>
      tpu.wait_dma2 semaphore(%arg24 : memref<!tpu.dma_semaphore, #tpu.memory_space<semaphore_mem>>) src(%dma_wait3A_150 : memref<400x16xf32, #tpu.memory_space<hbm>>) dst(%arg14 : memref<400x16xf32, #tpu.memory_space<vmem>>)
      %dma_wait3A_151 = arith.constant 0 : i32
      %dma_wait3A_152 = tpu.memref_slice %arg3[%select_n3A, %dma_wait3A_151] : memref<256x400xf32, #tpu.memory_space<hbm>> -> memref<1x400xf32, #tpu.memory_space<hbm>>
      %dma_wait3A_153 = arith.constant 0 : i32
      %dma_wait3A_154 = tpu.memref_slice %arg3[%select_n3A, %dma_wait3A_153] : memref<256x400xf32, #tpu.memory_space<hbm>> -> memref<1x400xf32, #tpu.memory_space<hbm>>
      tpu.wait_dma2 semaphore(%arg24 : memref<!tpu.dma_semaphore, #tpu.memory_space<semaphore_mem>>) src(%dma_wait3A_154 : memref<1x400xf32, #tpu.memory_space<hbm>>) dst(%arg12 : memref<1x400xf32, #tpu.memory_space<vmem>>)
      %scan3A_155 = arith.constant 0 : i32
      %scan3A_156 = arith.constant 25 : i32
      %scan3A_157 = arith.addi %scan3A_155, %scan3A_156 : i32
      %scan3A_158 = arith.constant 1 : i32
      %scan3A_159 = scf.for %scan3A_161 = %scan3A_155 to %scan3A_157 step %scan3A_158 iter_args(%scan3A_162 = %scan3A_119) -> (vector<16xf32>)  : i32 {
        %mul3A_163 = arith.constant 16 : i32
        %mul3A_164 = arith.muli %scan3A_161, %mul3A_163 : i32
        %get3A = arith.constant 0 : i32
        %get3A_165 = arith.index_cast %get3A : i32 to index
        %get3A_166 = arith.index_cast %mul3A_164 : i32 to index
        %get3A_167 = tpu.vector_load %arg12[%get3A_165, %get3A_166] {strides = array<i32>} : memref<1x400xf32, #tpu.memory_space<vmem>>, vector<1x16xf32>,
        %get3A_168 = vector.shape_cast %get3A_167 : vector<1x16xf32> to vector<16xf32>
        %slice3A = vector.extract_strided_slice %get3A_168 {offsets = [0], sizes = [1], strides = [1]} : vector<16xf32> to vector<1xf32>
        %squeeze3A = vector.extract %slice3A[0] : f32 from vector<1xf32>
        %mul3A_169 = arith.constant 16 : i32
        %mul3A_170 = arith.muli %scan3A_161, %mul3A_169 : i32
        %add3A_171 = arith.constant 0 : i32
        %add3A_172 = arith.addi %mul3A_170, %add3A_171 : i32
        %get3A_173 = arith.index_cast %add3A_172 : i32 to index
        %get3A_174 = arith.constant 0 : index
        %get3A_175 = tpu.vector_load %arg14[%get3A_173, %get3A_174] {strides = array<i32>} : memref<400x16xf32, #tpu.memory_space<vmem>>, vector<1x16xf32>,
        %get3A_176 = vector.shape_cast %get3A_175 : vector<1x16xf32> to vector<16xf32>
        %mul3A_177 = vector.broadcast %squeeze3A : f32 to vector<16xf32>
        %mul3A_178 = arith.mulf %mul3A_177, %get3A_176 : vector<16xf32>
        %add3A_179 = arith.addf %scan3A_162, %mul3A_178 : vector<16xf32>
        %slice3A_180 = vector.extract_strided_slice %get3A_168 {offsets = [1], sizes = [1], strides = [1]} : vector<16xf32> to vector<1xf32>
        %squeeze3A_181 = vector.extract %slice3A_180[0] : f32 from vector<1xf32>
        %mul3A_182 = arith.constant 16 : i32
        %mul3A_183 = arith.muli %scan3A_161, %mul3A_182 : i32
        %add3A_184 = arith.constant 1 : i32
        %add3A_185 = arith.addi %mul3A_183, %add3A_184 : i32
        %get3A_186 = arith.index_cast %add3A_185 : i32 to index
        %get3A_187 = arith.constant 0 : index
        %get3A_188 = tpu.vector_load %arg14[%get3A_186, %get3A_187] {strides = array<i32>} : memref<400x16xf32, #tpu.memory_space<vmem>>, vector<1x16xf32>,
        %get3A_189 = vector.shape_cast %get3A_188 : vector<1x16xf32> to vector<16xf32>
        %mul3A_190 = vector.broadcast %squeeze3A_181 : f32 to vector<16xf32>
        %mul3A_191 = arith.mulf %mul3A_190, %get3A_189 : vector<16xf32>
        %add3A_192 = arith.addf %add3A_179, %mul3A_191 : vector<16xf32>
        %slice3A_193 = vector.extract_strided_slice %get3A_168 {offsets = [2], sizes = [1], strides = [1]} : vector<16xf32> to vector<1xf32>
        %squeeze3A_194 = vector.extract %slice3A_193[0] : f32 from vector<1xf32>
        %mul3A_195 = arith.constant 16 : i32
        %mul3A_196 = arith.muli %scan3A_161, %mul3A_195 : i32
        %add3A_197 = arith.constant 2 : i32
        %add3A_198 = arith.addi %mul3A_196, %add3A_197 : i32
        %get3A_199 = arith.index_cast %add3A_198 : i32 to index
        %get3A_200 = arith.constant 0 : index
        %get3A_201 = tpu.vector_load %arg14[%get3A_199, %get3A_200] {strides = array<i32>} : memref<400x16xf32, #tpu.memory_space<vmem>>, vector<1x16xf32>,
        %get3A_202 = vector.shape_cast %get3A_201 : vector<1x16xf32> to vector<16xf32>
        %mul3A_203 = vector.broadcast %squeeze3A_194 : f32 to vector<16xf32>
        %mul3A_204 = arith.mulf %mul3A_203, %get3A_202 : vector<16xf32>
        %add3A_205 = arith.addf %add3A_192, %mul3A_204 : vector<16xf32>
        %slice3A_206 = vector.extract_strided_slice %get3A_168 {offsets = [3], sizes = [1], strides = [1]} : vector<16xf32> to vector<1xf32>
        %squeeze3A_207 = vector.extract %slice3A_206[0] : f32 from vector<1xf32>
        %mul3A_208 = arith.constant 16 : i32
        %mul3A_209 = arith.muli %scan3A_161, %mul3A_208 : i32
        %add3A_210 = arith.constant 3 : i32
        %add3A_211 = arith.addi %mul3A_209, %add3A_210 : i32
        %get3A_212 = arith.index_cast %add3A_211 : i32 to index
        %get3A_213 = arith.constant 0 : index
        %get3A_214 = tpu.vector_load %arg14[%get3A_212, %get3A_213] {strides = array<i32>} : memref<400x16xf32, #tpu.memory_space<vmem>>, vector<1x16xf32>,
        %get3A_215 = vector.shape_cast %get3A_214 : vector<1x16xf32> to vector<16xf32>
        %mul3A_216 = vector.broadcast %squeeze3A_207 : f32 to vector<16xf32>
        %mul3A_217 = arith.mulf %mul3A_216, %get3A_215 : vector<16xf32>
        %add3A_218 = arith.addf %add3A_205, %mul3A_217 : vector<16xf32>
        %slice3A_219 = vector.extract_strided_slice %get3A_168 {offsets = [4], sizes = [1], strides = [1]} : vector<16xf32> to vector<1xf32>
        %squeeze3A_220 = vector.extract %slice3A_219[0] : f32 from vector<1xf32>
        %mul3A_221 = arith.constant 16 : i32
        %mul3A_222 = arith.muli %scan3A_161, %mul3A_221 : i32
        %add3A_223 = arith.constant 4 : i32
        %add3A_224 = arith.addi %mul3A_222, %add3A_223 : i32
        %get3A_225 = arith.index_cast %add3A_224 : i32 to index
        %get3A_226 = arith.constant 0 : index
        %get3A_227 = tpu.vector_load %arg14[%get3A_225, %get3A_226] {strides = array<i32>} : memref<400x16xf32, #tpu.memory_space<vmem>>, vector<1x16xf32>,
        %get3A_228 = vector.shape_cast %get3A_227 : vector<1x16xf32> to vector<16xf32>
        %mul3A_229 = vector.broadcast %squeeze3A_220 : f32 to vector<16xf32>
        %mul3A_230 = arith.mulf %mul3A_229, %get3A_228 : vector<16xf32>
        %add3A_231 = arith.addf %add3A_218, %mul3A_230 : vector<16xf32>
        %slice3A_232 = vector.extract_strided_slice %get3A_168 {offsets = [5], sizes = [1], strides = [1]} : vector<16xf32> to vector<1xf32>
        %squeeze3A_233 = vector.extract %slice3A_232[0] : f32 from vector<1xf32>
        %mul3A_234 = arith.constant 16 : i32
        %mul3A_235 = arith.muli %scan3A_161, %mul3A_234 : i32
        %add3A_236 = arith.constant 5 : i32
        %add3A_237 = arith.addi %mul3A_235, %add3A_236 : i32
        %get3A_238 = arith.index_cast %add3A_237 : i32 to index
        %get3A_239 = arith.constant 0 : index
        %get3A_240 = tpu.vector_load %arg14[%get3A_238, %get3A_239] {strides = array<i32>} : memref<400x16xf32, #tpu.memory_space<vmem>>, vector<1x16xf32>,
        %get3A_241 = vector.shape_cast %get3A_240 : vector<1x16xf32> to vector<16xf32>
        %mul3A_242 = vector.broadcast %squeeze3A_233 : f32 to vector<16xf32>
        %mul3A_243 = arith.mulf %mul3A_242, %get3A_241 : vector<16xf32>
        %add3A_244 = arith.addf %add3A_231, %mul3A_243 : vector<16xf32>
        %slice3A_245 = vector.extract_strided_slice %get3A_168 {offsets = [6], sizes = [1], strides = [1]} : vector<16xf32> to vector<1xf32>
        %squeeze3A_246 = vector.extract %slice3A_245[0] : f32 from vector<1xf32>
        %mul3A_247 = arith.constant 16 : i32
        %mul3A_248 = arith.muli %scan3A_161, %mul3A_247 : i32
        %add3A_249 = arith.constant 6 : i32
        %add3A_250 = arith.addi %mul3A_248, %add3A_249 : i32
        %get3A_251 = arith.index_cast %add3A_250 : i32 to index
        %get3A_252 = arith.constant 0 : index
        %get3A_253 = tpu.vector_load %arg14[%get3A_251, %get3A_252] {strides = array<i32>} : memref<400x16xf32, #tpu.memory_space<vmem>>, vector<1x16xf32>,
        %get3A_254 = vector.shape_cast %get3A_253 : vector<1x16xf32> to vector<16xf32>
        %mul3A_255 = vector.broadcast %squeeze3A_246 : f32 to vector<16xf32>
        %mul3A_256 = arith.mulf %mul3A_255, %get3A_254 : vector<16xf32>
        %add3A_257 = arith.addf %add3A_244, %mul3A_256 : vector<16xf32>
        %slice3A_258 = vector.extract_strided_slice %get3A_168 {offsets = [7], sizes = [1], strides = [1]} : vector<16xf32> to vector<1xf32>
        %squeeze3A_259 = vector.extract %slice3A_258[0] : f32 from vector<1xf32>
        %mul3A_260 = arith.constant 16 : i32
        %mul3A_261 = arith.muli %scan3A_161, %mul3A_260 : i32
        %add3A_262 = arith.constant 7 : i32
        %add3A_263 = arith.addi %mul3A_261, %add3A_262 : i32
        %get3A_264 = arith.index_cast %add3A_263 : i32 to index
        %get3A_265 = arith.constant 0 : index
        %get3A_266 = tpu.vector_load %arg14[%get3A_264, %get3A_265] {strides = array<i32>} : memref<400x16xf32, #tpu.memory_space<vmem>>, vector<1x16xf32>,
        %get3A_267 = vector.shape_cast %get3A_266 : vector<1x16xf32> to vector<16xf32>
        %mul3A_268 = vector.broadcast %squeeze3A_259 : f32 to vector<16xf32>
        %mul3A_269 = arith.mulf %mul3A_268, %get3A_267 : vector<16xf32>
        %add3A_270 = arith.addf %add3A_257, %mul3A_269 : vector<16xf32>
        %slice3A_271 = vector.extract_strided_slice %get3A_168 {offsets = [8], sizes = [1], strides = [1]} : vector<16xf32> to vector<1xf32>
        %squeeze3A_272 = vector.extract %slice3A_271[0] : f32 from vector<1xf32>
        %mul3A_273 = arith.constant 16 : i32
        %mul3A_274 = arith.muli %scan3A_161, %mul3A_273 : i32
        %add3A_275 = arith.constant 8 : i32
        %add3A_276 = arith.addi %mul3A_274, %add3A_275 : i32
        %get3A_277 = arith.index_cast %add3A_276 : i32 to index
        %get3A_278 = arith.constant 0 : index
        %get3A_279 = tpu.vector_load %arg14[%get3A_277, %get3A_278] {strides = array<i32>} : memref<400x16xf32, #tpu.memory_space<vmem>>, vector<1x16xf32>,
        %get3A_280 = vector.shape_cast %get3A_279 : vector<1x16xf32> to vector<16xf32>
        %mul3A_281 = vector.broadcast %squeeze3A_272 : f32 to vector<16xf32>
        %mul3A_282 = arith.mulf %mul3A_281, %get3A_280 : vector<16xf32>
        %add3A_283 = arith.addf %add3A_270, %mul3A_282 : vector<16xf32>
        %slice3A_284 = vector.extract_strided_slice %get3A_168 {offsets = [9], sizes = [1], strides = [1]} : vector<16xf32> to vector<1xf32>
        %squeeze3A_285 = vector.extract %slice3A_284[0] : f32 from vector<1xf32>
        %mul3A_286 = arith.constant 16 : i32
        %mul3A_287 = arith.muli %scan3A_161, %mul3A_286 : i32
        %add3A_288 = arith.constant 9 : i32
        %add3A_289 = arith.addi %mul3A_287, %add3A_288 : i32
        %get3A_290 = arith.index_cast %add3A_289 : i32 to index
        %get3A_291 = arith.constant 0 : index
        %get3A_292 = tpu.vector_load %arg14[%get3A_290, %get3A_291] {strides = array<i32>} : memref<400x16xf32, #tpu.memory_space<vmem>>, vector<1x16xf32>,
        %get3A_293 = vector.shape_cast %get3A_292 : vector<1x16xf32> to vector<16xf32>
        %mul3A_294 = vector.broadcast %squeeze3A_285 : f32 to vector<16xf32>
        %mul3A_295 = arith.mulf %mul3A_294, %get3A_293 : vector<16xf32>
        %add3A_296 = arith.addf %add3A_283, %mul3A_295 : vector<16xf32>
        %slice3A_297 = vector.extract_strided_slice %get3A_168 {offsets = [10], sizes = [1], strides = [1]} : vector<16xf32> to vector<1xf32>
        %squeeze3A_298 = vector.extract %slice3A_297[0] : f32 from vector<1xf32>
        %mul3A_299 = arith.constant 16 : i32
        %mul3A_300 = arith.muli %scan3A_161, %mul3A_299 : i32
        %add3A_301 = arith.constant 10 : i32
        %add3A_302 = arith.addi %mul3A_300, %add3A_301 : i32
        %get3A_303 = arith.index_cast %add3A_302 : i32 to index
        %get3A_304 = arith.constant 0 : index
        %get3A_305 = tpu.vector_load %arg14[%get3A_303, %get3A_304] {strides = array<i32>} : memref<400x16xf32, #tpu.memory_space<vmem>>, vector<1x16xf32>,
        %get3A_306 = vector.shape_cast %get3A_305 : vector<1x16xf32> to vector<16xf32>
        %mul3A_307 = vector.broadcast %squeeze3A_298 : f32 to vector<16xf32>
        %mul3A_308 = arith.mulf %mul3A_307, %get3A_306 : vector<16xf32>
        %add3A_309 = arith.addf %add3A_296, %mul3A_308 : vector<16xf32>
        %slice3A_310 = vector.extract_strided_slice %get3A_168 {offsets = [11], sizes = [1], strides = [1]} : vector<16xf32> to vector<1xf32>
        %squeeze3A_311 = vector.extract %slice3A_310[0] : f32 from vector<1xf32>
        %mul3A_312 = arith.constant 16 : i32
        %mul3A_313 = arith.muli %scan3A_161, %mul3A_312 : i32
        %add3A_314 = arith.constant 11 : i32
        %add3A_315 = arith.addi %mul3A_313, %add3A_314 : i32
        %get3A_316 = arith.index_cast %add3A_315 : i32 to index
        %get3A_317 = arith.constant 0 : index
        %get3A_318 = tpu.vector_load %arg14[%get3A_316, %get3A_317] {strides = array<i32>} : memref<400x16xf32, #tpu.memory_space<vmem>>, vector<1x16xf32>,
        %get3A_319 = vector.shape_cast %get3A_318 : vector<1x16xf32> to vector<16xf32>
        %mul3A_320 = vector.broadcast %squeeze3A_311 : f32 to vector<16xf32>
        %mul3A_321 = arith.mulf %mul3A_320, %get3A_319 : vector<16xf32>
        %add3A_322 = arith.addf %add3A_309, %mul3A_321 : vector<16xf32>
        %slice3A_323 = vector.extract_strided_slice %get3A_168 {offsets = [12], sizes = [1], strides = [1]} : vector<16xf32> to vector<1xf32>
        %squeeze3A_324 = vector.extract %slice3A_323[0] : f32 from vector<1xf32>
        %mul3A_325 = arith.constant 16 : i32
        %mul3A_326 = arith.muli %scan3A_161, %mul3A_325 : i32
        %add3A_327 = arith.constant 12 : i32
        %add3A_328 = arith.addi %mul3A_326, %add3A_327 : i32
        %get3A_329 = arith.index_cast %add3A_328 : i32 to index
        %get3A_330 = arith.constant 0 : index
        %get3A_331 = tpu.vector_load %arg14[%get3A_329, %get3A_330] {strides = array<i32>} : memref<400x16xf32, #tpu.memory_space<vmem>>, vector<1x16xf32>,
        %get3A_332 = vector.shape_cast %get3A_331 : vector<1x16xf32> to vector<16xf32>
        %mul3A_333 = vector.broadcast %squeeze3A_324 : f32 to vector<16xf32>
        %mul3A_334 = arith.mulf %mul3A_333, %get3A_332 : vector<16xf32>
        %add3A_335 = arith.addf %add3A_322, %mul3A_334 : vector<16xf32>
        %slice3A_336 = vector.extract_strided_slice %get3A_168 {offsets = [13], sizes = [1], strides = [1]} : vector<16xf32> to vector<1xf32>
        %squeeze3A_337 = vector.extract %slice3A_336[0] : f32 from vector<1xf32>
        %mul3A_338 = arith.constant 16 : i32
        %mul3A_339 = arith.muli %scan3A_161, %mul3A_338 : i32
        %add3A_340 = arith.constant 13 : i32
        %add3A_341 = arith.addi %mul3A_339, %add3A_340 : i32
        %get3A_342 = arith.index_cast %add3A_341 : i32 to index
        %get3A_343 = arith.constant 0 : index
        %get3A_344 = tpu.vector_load %arg14[%get3A_342, %get3A_343] {strides = array<i32>} : memref<400x16xf32, #tpu.memory_space<vmem>>, vector<1x16xf32>,
        %get3A_345 = vector.shape_cast %get3A_344 : vector<1x16xf32> to vector<16xf32>
        %mul3A_346 = vector.broadcast %squeeze3A_337 : f32 to vector<16xf32>
        %mul3A_347 = arith.mulf %mul3A_346, %get3A_345 : vector<16xf32>
        %add3A_348 = arith.addf %add3A_335, %mul3A_347 : vector<16xf32>
        %slice3A_349 = vector.extract_strided_slice %get3A_168 {offsets = [14], sizes = [1], strides = [1]} : vector<16xf32> to vector<1xf32>
        %squeeze3A_350 = vector.extract %slice3A_349[0] : f32 from vector<1xf32>
        %mul3A_351 = arith.constant 16 : i32
        %mul3A_352 = arith.muli %scan3A_161, %mul3A_351 : i32
        %add3A_353 = arith.constant 14 : i32
        %add3A_354 = arith.addi %mul3A_352, %add3A_353 : i32
        %get3A_355 = arith.index_cast %add3A_354 : i32 to index
        %get3A_356 = arith.constant 0 : index
        %get3A_357 = tpu.vector_load %arg14[%get3A_355, %get3A_356] {strides = array<i32>} : memref<400x16xf32, #tpu.memory_space<vmem>>, vector<1x16xf32>,
        %get3A_358 = vector.shape_cast %get3A_357 : vector<1x16xf32> to vector<16xf32>
        %mul3A_359 = vector.broadcast %squeeze3A_350 : f32 to vector<16xf32>
        %mul3A_360 = arith.mulf %mul3A_359, %get3A_358 : vector<16xf32>
        %add3A_361 = arith.addf %add3A_348, %mul3A_360 : vector<16xf32>
        %slice3A_362 = vector.extract_strided_slice %get3A_168 {offsets = [15], sizes = [1], strides = [1]} : vector<16xf32> to vector<1xf32>
        %squeeze3A_363 = vector.extract %slice3A_362[0] : f32 from vector<1xf32>
        %mul3A_364 = arith.constant 16 : i32
        %mul3A_365 = arith.muli %scan3A_161, %mul3A_364 : i32
        %add3A_366 = arith.constant 15 : i32
        %add3A_367 = arith.addi %mul3A_365, %add3A_366 : i32
        %get3A_368 = arith.index_cast %add3A_367 : i32 to index
        %get3A_369 = arith.constant 0 : index
        %get3A_370 = tpu.vector_load %arg14[%get3A_368, %get3A_369] {strides = array<i32>} : memref<400x16xf32, #tpu.memory_space<vmem>>, vector<1x16xf32>,
        %get3A_371 = vector.shape_cast %get3A_370 : vector<1x16xf32> to vector<16xf32>
        %mul3A_372 = vector.broadcast %squeeze3A_363 : f32 to vector<16xf32>
        %mul3A_373 = arith.mulf %mul3A_372, %get3A_371 : vector<16xf32>
        %add3A_374 = arith.addf %add3A_361, %mul3A_373 : vector<16xf32>
        scf.yield %add3A_374 : vector<16xf32>
      }
      %scan3A_160 = arith.constant 25 : i32
      scf.yield %scan3A_159 : vector<16xf32>
    }
    %scan3A_16 = arith.constant 8 : i32
    %barrier3A = arith.constant 0 : index
    tpu.barrier barrier_id(%barrier3A)
    %mul3A_17 = arith.constant 250 : i32
    %mul3A_18 = arith.muli %add3A, %mul3A_17 : i32
    %add3A_19 = arith.constant 0 : i32
    %add3A_20 = arith.addi %mul3A_18, %add3A_19 : i32
    %mul3A_21 = arith.constant 1 : i32
    %mul3A_22 = arith.muli %add3A_20, %mul3A_21 : i32
    %mul3A_23 = arith.constant 1 : i32
    %mul3A_24 = arith.muli %add3A_20, %mul3A_23 : i32
    %dma_start3A_25 = arith.constant 0 : i32
    %dma_start3A_26 = tpu.memref_slice %arg5[%mul3A_22, %dma_start3A_25] : memref<8000x400xi32, #tpu.memory_space<hbm>> -> memref<1x400xi32, #tpu.memory_space<hbm>>
    %dma_start3A_27 = arith.constant 0 : i32
    %dma_start3A_28 = tpu.memref_slice %arg5[%mul3A_22, %dma_start3A_27] : memref<8000x400xi32, #tpu.memory_space<hbm>> -> memref<1x400xi32, #tpu.memory_space<hbm>>
    tpu.enqueue_dma source(%dma_start3A_28 : memref<1x400xi32, #tpu.memory_space<hbm>>) target(%arg8 : memref<1x400xi32, #tpu.memory_space<vmem>>) target_semaphore(%arg20 : memref<!tpu.dma_semaphore, #tpu.memory_space<semaphore_mem>>)
    %dma_start3A_29 = arith.constant 0 : i32
    %dma_start3A_30 = tpu.memref_slice %arg6[%mul3A_24, %dma_start3A_29] : memref<8000x400xi32, #tpu.memory_space<hbm>> -> memref<1x400xi32, #tpu.memory_space<hbm>>
    %dma_start3A_31 = arith.constant 0 : i32
    %dma_start3A_32 = tpu.memref_slice %arg6[%mul3A_24, %dma_start3A_31] : memref<8000x400xi32, #tpu.memory_space<hbm>> -> memref<1x400xi32, #tpu.memory_space<hbm>>
    tpu.enqueue_dma source(%dma_start3A_32 : memref<1x400xi32, #tpu.memory_space<hbm>>) target(%arg10 : memref<1x400xi32, #tpu.memory_space<vmem>>) target_semaphore(%arg20 : memref<!tpu.dma_semaphore, #tpu.memory_space<semaphore_mem>>)
    %dma_start3A_33 = arith.constant 0 : i32
    %dma_start3A_34 = tpu.memref_slice %arg4[%add3A_20, %dma_start3A_33] : memref<8000x400xf32, #tpu.memory_space<hbm>> -> memref<1x400xf32, #tpu.memory_space<hbm>>
    %dma_start3A_35 = arith.constant 0 : i32
    %dma_start3A_36 = tpu.memref_slice %arg4[%add3A_20, %dma_start3A_35] : memref<8000x400xf32, #tpu.memory_space<hbm>> -> memref<1x400xf32, #tpu.memory_space<hbm>>
    tpu.enqueue_dma source(%dma_start3A_36 : memref<1x400xf32, #tpu.memory_space<hbm>>) target(%arg12 : memref<1x400xf32, #tpu.memory_space<vmem>>) target_semaphore(%arg20 : memref<!tpu.dma_semaphore, #tpu.memory_space<semaphore_mem>>)
    %mul3A_37 = arith.constant 250 : i32
    %mul3A_38 = arith.muli %add3A, %mul3A_37 : i32
    %add3A_39 = arith.constant 0 : i32
    %add3A_40 = arith.addi %mul3A_38, %add3A_39 : i32
    %mul3A_41 = arith.constant 1 : i32
    %mul3A_42 = arith.muli %add3A_40, %mul3A_41 : i32
    %mul3A_43 = arith.constant 1 : i32
    %mul3A_44 = arith.muli %add3A_40, %mul3A_43 : i32
    %dma_wait3A_45 = arith.constant 0 : i32
    %dma_wait3A_46 = tpu.memref_slice %arg5[%mul3A_42, %dma_wait3A_45] : memref<8000x400xi32, #tpu.memory_space<hbm>> -> memref<1x400xi32, #tpu.memory_space<hbm>>
    %dma_wait3A_47 = arith.constant 0 : i32
    %dma_wait3A_48 = tpu.memref_slice %arg5[%mul3A_42, %dma_wait3A_47] : memref<8000x400xi32, #tpu.memory_space<hbm>> -> memref<1x400xi32, #tpu.memory_space<hbm>>
    tpu.wait_dma2 semaphore(%arg20 : memref<!tpu.dma_semaphore, #tpu.memory_space<semaphore_mem>>) src(%dma_wait3A_48 : memref<1x400xi32, #tpu.memory_space<hbm>>) dst(%arg8 : memref<1x400xi32, #tpu.memory_space<vmem>>)
    %dma_wait3A_49 = arith.constant 0 : i32
    %dma_wait3A_50 = tpu.memref_slice %arg6[%mul3A_44, %dma_wait3A_49] : memref<8000x400xi32, #tpu.memory_space<hbm>> -> memref<1x400xi32, #tpu.memory_space<hbm>>
    %dma_wait3A_51 = arith.constant 0 : i32
    %dma_wait3A_52 = tpu.memref_slice %arg6[%mul3A_44, %dma_wait3A_51] : memref<8000x400xi32, #tpu.memory_space<hbm>> -> memref<1x400xi32, #tpu.memory_space<hbm>>
    tpu.wait_dma2 semaphore(%arg20 : memref<!tpu.dma_semaphore, #tpu.memory_space<semaphore_mem>>) src(%dma_wait3A_52 : memref<1x400xi32, #tpu.memory_space<hbm>>) dst(%arg10 : memref<1x400xi32, #tpu.memory_space<vmem>>)
    %dma_wait3A_53 = arith.constant 0 : i32
    %dma_wait3A_54 = tpu.memref_slice %arg4[%add3A_40, %dma_wait3A_53] : memref<8000x400xf32, #tpu.memory_space<hbm>> -> memref<1x400xf32, #tpu.memory_space<hbm>>
    %dma_wait3A_55 = arith.constant 0 : i32
    %dma_wait3A_56 = tpu.memref_slice %arg4[%add3A_40, %dma_wait3A_55] : memref<8000x400xf32, #tpu.memory_space<hbm>> -> memref<1x400xf32, #tpu.memory_space<hbm>>
    tpu.wait_dma2 semaphore(%arg20 : memref<!tpu.dma_semaphore, #tpu.memory_space<semaphore_mem>>) src(%dma_wait3A_56 : memref<1x400xf32, #tpu.memory_space<hbm>>) dst(%arg12 : memref<1x400xf32, #tpu.memory_space<vmem>>)
    %dma_start3A_57 = arith.constant 0 : i32
    %dma_start3A_58 = arith.constant 0 : i32
    %dma_start3A_59 = arith.constant 0 : i32
    %dma_start3A_60 = tpu.memref_slice %arg14[%dma_start3A_58, %dma_start3A_59] : memref<400x16xf32, #tpu.memory_space<vmem>> -> memref<400x16xf32, #tpu.memory_space<vmem>>
    %dma_start3A_61 = arith.constant 0 : i32
    %dma_start3A_62 = tpu.memref_slice %arg8[%dma_start3A_57, %dma_start3A_61] : memref<1x400xi32, #tpu.memory_space<vmem>> -> memref<1x400xi32, #tpu.memory_space<vmem>>
    %dma_start3A_63 = tpu.memref_squeeze %dma_start3A_62 : memref<1x400xi32, #tpu.memory_space<vmem>> -> memref<400xi32, #tpu.memory_space<vmem>>
    %dma_start3A_64 = arith.constant 0 : i32
    %dma_start3A_65 = arith.constant 0 : i32
    %dma_start3A_66 = tpu.memref_slice %arg19[%dma_start3A_64, %dma_start3A_65] : memref<100000x16xf32, #tpu.memory_space<vmem_shared>> -> memref<100000x16xf32, #tpu.memory_space<vmem_shared>>
    tpu.enqueue_indirect_dma source(%dma_start3A_66 : memref<100000x16xf32, #tpu.memory_space<vmem_shared>>) target(%dma_start3A_60 : memref<400x16xf32, #tpu.memory_space<vmem>>) offsets(%dma_start3A_63 : memref<400xi32, #tpu.memory_space<vmem>>) semaphore(%arg22 : memref<!tpu.dma_semaphore, #tpu.memory_space<semaphore_mem>>)
    %dma_start3A_67 = arith.constant 0 : i32
    %dma_start3A_68 = arith.constant 0 : i32
    %dma_start3A_69 = arith.constant 0 : i32
    %dma_start3A_70 = tpu.memref_slice %arg16[%dma_start3A_68, %dma_start3A_69] : memref<400x16xf32, #tpu.memory_space<vmem>> -> memref<400x16xf32, #tpu.memory_space<vmem>>
    %dma_start3A_71 = arith.constant 0 : i32
    %dma_start3A_72 = tpu.memref_slice %arg10[%dma_start3A_67, %dma_start3A_71] : memref<1x400xi32, #tpu.memory_space<vmem>> -> memref<1x400xi32, #tpu.memory_space<vmem>>
    %dma_start3A_73 = tpu.memref_squeeze %dma_start3A_72 : memref<1x400xi32, #tpu.memory_space<vmem>> -> memref<400xi32, #tpu.memory_space<vmem>>
    %dma_start3A_74 = arith.constant 0 : i32
    %dma_start3A_75 = arith.constant 0 : i32
    %dma_start3A_76 = tpu.memref_slice %arg19[%dma_start3A_74, %dma_start3A_75] : memref<100000x16xf32, #tpu.memory_space<vmem_shared>> -> memref<100000x16xf32, #tpu.memory_space<vmem_shared>>
    tpu.enqueue_indirect_dma source(%dma_start3A_76 : memref<100000x16xf32, #tpu.memory_space<vmem_shared>>) target(%dma_start3A_70 : memref<400x16xf32, #tpu.memory_space<vmem>>) offsets(%dma_start3A_73 : memref<400xi32, #tpu.memory_space<vmem>>) semaphore(%arg22 : memref<!tpu.dma_semaphore, #tpu.memory_space<semaphore_mem>>)
    %mul3A_77 = arith.constant 250 : i32
    %mul3A_78 = arith.muli %add3A, %mul3A_77 : i32
    %add3A_79 = arith.constant 1 : i32
    %add3A_80 = arith.addi %mul3A_78, %add3A_79 : i32
    %mul3A_81 = arith.constant 1 : i32
    %mul3A_82 = arith.muli %add3A_80, %mul3A_81 : i32
    %mul3A_83 = arith.constant 1 : i32
    %mul3A_84 = arith.muli %add3A_80, %mul3A_83 : i32
    %dma_start3A_85 = arith.constant 0 : i32
    %dma_start3A_86 = tpu.memref_slice %arg5[%mul3A_82, %dma_start3A_85] : memref<8000x400xi32, #tpu.memory_space<hbm>> -> memref<1x400xi32, #tpu.memory_space<hbm>>
    %dma_start3A_87 = arith.constant 0 : i32
    %dma_start3A_88 = tpu.memref_slice %arg5[%mul3A_82, %dma_start3A_87] : memref<8000x400xi32, #tpu.memory_space<hbm>> -> memref<1x400xi32, #tpu.memory_space<hbm>>
    tpu.enqueue_dma source(%dma_start3A_88 : memref<1x400xi32, #tpu.memory_space<hbm>>) target(%arg9 : memref<1x400xi32, #tpu.memory_space<vmem>>) target_semaphore(%arg21 : memref<!tpu.dma_semaphore, #tpu.memory_space<semaphore_mem>>)
    %dma_start3A_89 = arith.constant 0 : i32
    %dma_start3A_90 = tpu.memref_slice %arg6[%mul3A_84, %dma_start3A_89] : memref<8000x400xi32, #tpu.memory_space<hbm>> -> memref<1x400xi32, #tpu.memory_space<hbm>>
    %dma_start3A_91 = arith.constant 0 : i32
    %dma_start3A_92 = tpu.memref_slice %arg6[%mul3A_84, %dma_start3A_91] : memref<8000x400xi32, #tpu.memory_space<hbm>> -> memref<1x400xi32, #tpu.memory_space<hbm>>
    tpu.enqueue_dma source(%dma_start3A_92 : memref<1x400xi32, #tpu.memory_space<hbm>>) target(%arg11 : memref<1x400xi32, #tpu.memory_space<vmem>>) target_semaphore(%arg21 : memref<!tpu.dma_semaphore, #tpu.memory_space<semaphore_mem>>)
    %dma_start3A_93 = arith.constant 0 : i32
    %dma_start3A_94 = tpu.memref_slice %arg4[%add3A_80, %dma_start3A_93] : memref<8000x400xf32, #tpu.memory_space<hbm>> -> memref<1x400xf32, #tpu.memory_space<hbm>>
    %dma_start3A_95 = arith.constant 0 : i32
    %dma_start3A_96 = tpu.memref_slice %arg4[%add3A_80, %dma_start3A_95] : memref<8000x400xf32, #tpu.memory_space<hbm>> -> memref<1x400xf32, #tpu.memory_space<hbm>>
    tpu.enqueue_dma source(%dma_start3A_96 : memref<1x400xf32, #tpu.memory_space<hbm>>) target(%arg13 : memref<1x400xf32, #tpu.memory_space<vmem>>) target_semaphore(%arg21 : memref<!tpu.dma_semaphore, #tpu.memory_space<semaphore_mem>>)
    %scan3A_97 = arith.constant 0 : i32
    %scan3A_98 = arith.constant 125 : i32
    %scan3A_99 = arith.addi %scan3A_97, %scan3A_98 : i32
    %scan3A_100 = arith.constant 1 : i32
    %scan3A_101 = scf.for %scan3A_118 = %scan3A_97 to %scan3A_99 step %scan3A_100 iter_args(%scan3A_119 = %scan3A_15) -> (vector<16xf32>)  : i32 {
      %mul3A_120 = arith.constant 2 : i32
      %mul3A_121 = arith.muli %mul3A_120, %scan3A_118 : i32
      %dma_wait3A_122 = arith.constant 0 : i32
      %dma_wait3A_123 = arith.constant 0 : i32
      %dma_wait3A_124 = arith.constant 0 : i32
      %dma_wait3A_125 = tpu.memref_slice %arg14[%dma_wait3A_123, %dma_wait3A_124] : memref<400x16xf32, #tpu.memory_space<vmem>> -> memref<400x16xf32, #tpu.memory_space<vmem>>
      %dma_wait3A_126 = arith.constant 0 : i32
      %dma_wait3A_127 = tpu.memref_slice %arg8[%dma_wait3A_122, %dma_wait3A_126] : memref<1x400xi32, #tpu.memory_space<vmem>> -> memref<1x400xi32, #tpu.memory_space<vmem>>
      %dma_wait3A_128 = tpu.memref_squeeze %dma_wait3A_127 : memref<1x400xi32, #tpu.memory_space<vmem>> -> memref<400xi32, #tpu.memory_space<vmem>>
      %dma_wait3A_129 = arith.constant 0 : i32
      %dma_wait3A_130 = arith.constant 0 : i32
      %dma_wait3A_131 = tpu.memref_slice %arg19[%dma_wait3A_129, %dma_wait3A_130] : memref<100000x16xf32, #tpu.memory_space<vmem_shared>> -> memref<100000x16xf32, #tpu.memory_space<vmem_shared>>
      tpu.wait_indirect_dma semaphore(%arg22 : memref<!tpu.dma_semaphore, #tpu.memory_space<semaphore_mem>>) src(%dma_wait3A_131 : memref<100000x16xf32, #tpu.memory_space<vmem_shared>>) dst(%dma_wait3A_125 : memref<400x16xf32, #tpu.memory_space<vmem>>)
      %dma_wait3A_132 = arith.constant 0 : i32
      %dma_wait3A_133 = arith.constant 0 : i32
      %dma_wait3A_134 = arith.constant 0 : i32
      %dma_wait3A_135 = tpu.memref_slice %arg16[%dma_wait3A_133, %dma_wait3A_134] : memref<400x16xf32, #tpu.memory_space<vmem>> -> memref<400x16xf32, #tpu.memory_space<vmem>>
      %dma_wait3A_136 = arith.constant 0 : i32
      %dma_wait3A_137 = tpu.memref_slice %arg10[%dma_wait3A_132, %dma_wait3A_136] : memref<1x400xi32, #tpu.memory_space<vmem>> -> memref<1x400xi32, #tpu.memory_space<vmem>>
      %dma_wait3A_138 = tpu.memref_squeeze %dma_wait3A_137 : memref<1x400xi32, #tpu.memory_space<vmem>> -> memref<400xi32, #tpu.memory_space<vmem>>
      %dma_wait3A_139 = arith.constant 0 : i32
      %dma_wait3A_140 = arith.constant 0 : i32
      %dma_wait3A_141 = tpu.memref_slice %arg19[%dma_wait3A_139, %dma_wait3A_140] : memref<100000x16xf32, #tpu.memory_space<vmem_shared>> -> memref<100000x16xf32, #tpu.memory_space<vmem_shared>>
      tpu.wait_indirect_dma semaphore(%arg22 : memref<!tpu.dma_semaphore, #tpu.memory_space<semaphore_mem>>) src(%dma_wait3A_141 : memref<100000x16xf32, #tpu.memory_space<vmem_shared>>) dst(%dma_wait3A_135 : memref<400x16xf32, #tpu.memory_space<vmem>>)
      %add3A_142 = arith.constant 1 : i32
      %add3A_143 = arith.addi %mul3A_121, %add3A_142 : i32
      %mul3A_144 = arith.constant 250 : i32
      %mul3A_145 = arith.muli %add3A, %mul3A_144 : i32
      %add3A_146 = arith.addi %mul3A_145, %add3A_143 : i32
      %mul3A_147 = arith.constant 1 : i32
      %mul3A_148 = arith.muli %add3A_146, %mul3A_147 : i32
      %mul3A_149 = arith.constant 1 : i32
      %mul3A_150 = arith.muli %add3A_146, %mul3A_149 : i32
      %dma_wait3A_151 = arith.constant 0 : i32
      %dma_wait3A_152 = tpu.memref_slice %arg5[%mul3A_148, %dma_wait3A_151] : memref<8000x400xi32, #tpu.memory_space<hbm>> -> memref<1x400xi32, #tpu.memory_space<hbm>>
      %dma_wait3A_153 = arith.constant 0 : i32
      %dma_wait3A_154 = tpu.memref_slice %arg5[%mul3A_148, %dma_wait3A_153] : memref<8000x400xi32, #tpu.memory_space<hbm>> -> memref<1x400xi32, #tpu.memory_space<hbm>>
      tpu.wait_dma2 semaphore(%arg21 : memref<!tpu.dma_semaphore, #tpu.memory_space<semaphore_mem>>) src(%dma_wait3A_154 : memref<1x400xi32, #tpu.memory_space<hbm>>) dst(%arg9 : memref<1x400xi32, #tpu.memory_space<vmem>>)
      %dma_wait3A_155 = arith.constant 0 : i32
      %dma_wait3A_156 = tpu.memref_slice %arg6[%mul3A_150, %dma_wait3A_155] : memref<8000x400xi32, #tpu.memory_space<hbm>> -> memref<1x400xi32, #tpu.memory_space<hbm>>
      %dma_wait3A_157 = arith.constant 0 : i32
      %dma_wait3A_158 = tpu.memref_slice %arg6[%mul3A_150, %dma_wait3A_157] : memref<8000x400xi32, #tpu.memory_space<hbm>> -> memref<1x400xi32, #tpu.memory_space<hbm>>
      tpu.wait_dma2 semaphore(%arg21 : memref<!tpu.dma_semaphore, #tpu.memory_space<semaphore_mem>>) src(%dma_wait3A_158 : memref<1x400xi32, #tpu.memory_space<hbm>>) dst(%arg11 : memref<1x400xi32, #tpu.memory_space<vmem>>)
      %dma_wait3A_159 = arith.constant 0 : i32
      %dma_wait3A_160 = tpu.memref_slice %arg4[%add3A_146, %dma_wait3A_159] : memref<8000x400xf32, #tpu.memory_space<hbm>> -> memref<1x400xf32, #tpu.memory_space<hbm>>
      %dma_wait3A_161 = arith.constant 0 : i32
      %dma_wait3A_162 = tpu.memref_slice %arg4[%add3A_146, %dma_wait3A_161] : memref<8000x400xf32, #tpu.memory_space<hbm>> -> memref<1x400xf32, #tpu.memory_space<hbm>>
      tpu.wait_dma2 semaphore(%arg21 : memref<!tpu.dma_semaphore, #tpu.memory_space<semaphore_mem>>) src(%dma_wait3A_162 : memref<1x400xf32, #tpu.memory_space<hbm>>) dst(%arg13 : memref<1x400xf32, #tpu.memory_space<vmem>>)
      %dma_start3A_163 = arith.constant 0 : i32
      %dma_start3A_164 = arith.constant 0 : i32
      %dma_start3A_165 = arith.constant 0 : i32
      %dma_start3A_166 = tpu.memref_slice %arg15[%dma_start3A_164, %dma_start3A_165] : memref<400x16xf32, #tpu.memory_space<vmem>> -> memref<400x16xf32, #tpu.memory_space<vmem>>
      %dma_start3A_167 = arith.constant 0 : i32
      %dma_start3A_168 = tpu.memref_slice %arg9[%dma_start3A_163, %dma_start3A_167] : memref<1x400xi32, #tpu.memory_space<vmem>> -> memref<1x400xi32, #tpu.memory_space<vmem>>
      %dma_start3A_169 = tpu.memref_squeeze %dma_start3A_168 : memref<1x400xi32, #tpu.memory_space<vmem>> -> memref<400xi32, #tpu.memory_space<vmem>>
      %dma_start3A_170 = arith.constant 0 : i32
      %dma_start3A_171 = arith.constant 0 : i32
      %dma_start3A_172 = tpu.memref_slice %arg19[%dma_start3A_170, %dma_start3A_171] : memref<100000x16xf32, #tpu.memory_space<vmem_shared>> -> memref<100000x16xf32, #tpu.memory_space<vmem_shared>>
      tpu.enqueue_indirect_dma source(%dma_start3A_172 : memref<100000x16xf32, #tpu.memory_space<vmem_shared>>) target(%dma_start3A_166 : memref<400x16xf32, #tpu.memory_space<vmem>>) offsets(%dma_start3A_169 : memref<400xi32, #tpu.memory_space<vmem>>) semaphore(%arg23 : memref<!tpu.dma_semaphore, #tpu.memory_space<semaphore_mem>>)
      %dma_start3A_173 = arith.constant 0 : i32
      %dma_start3A_174 = arith.constant 0 : i32
      %dma_start3A_175 = arith.constant 0 : i32
      %dma_start3A_176 = tpu.memref_slice %arg17[%dma_start3A_174, %dma_start3A_175] : memref<400x16xf32, #tpu.memory_space<vmem>> -> memref<400x16xf32, #tpu.memory_space<vmem>>
      %dma_start3A_177 = arith.constant 0 : i32
      %dma_start3A_178 = tpu.memref_slice %arg11[%dma_start3A_173, %dma_start3A_177] : memref<1x400xi32, #tpu.memory_space<vmem>> -> memref<1x400xi32, #tpu.memory_space<vmem>>
      %dma_start3A_179 = tpu.memref_squeeze %dma_start3A_178 : memref<1x400xi32, #tpu.memory_space<vmem>> -> memref<400xi32, #tpu.memory_space<vmem>>
      %dma_start3A_180 = arith.constant 0 : i32
      %dma_start3A_181 = arith.constant 0 : i32
      %dma_start3A_182 = tpu.memref_slice %arg19[%dma_start3A_180, %dma_start3A_181] : memref<100000x16xf32, #tpu.memory_space<vmem_shared>> -> memref<100000x16xf32, #tpu.memory_space<vmem_shared>>
      tpu.enqueue_indirect_dma source(%dma_start3A_182 : memref<100000x16xf32, #tpu.memory_space<vmem_shared>>) target(%dma_start3A_176 : memref<400x16xf32, #tpu.memory_space<vmem>>) offsets(%dma_start3A_179 : memref<400xi32, #tpu.memory_space<vmem>>) semaphore(%arg23 : memref<!tpu.dma_semaphore, #tpu.memory_space<semaphore_mem>>)
      %scan3A_183 = arith.constant 0 : i32
      %scan3A_184 = arith.constant 25 : i32
      %scan3A_185 = arith.addi %scan3A_183, %scan3A_184 : i32
      %scan3A_186 = arith.constant 1 : i32
      %scan3A_187 = scf.for %scan3A_233 = %scan3A_183 to %scan3A_185 step %scan3A_186 iter_args(%scan3A_234 = %scan3A_119) -> (vector<16xf32>)  : i32 {
        %mul3A_235 = arith.constant 16 : i32
        %mul3A_236 = arith.muli %scan3A_233, %mul3A_235 : i32
        %get3A = arith.constant 0 : i32
        %get3A_237 = arith.index_cast %get3A : i32 to index
        %get3A_238 = arith.index_cast %mul3A_236 : i32 to index
        %get3A_239 = tpu.vector_load %arg12[%get3A_237, %get3A_238] {strides = array<i32>} : memref<1x400xf32, #tpu.memory_space<vmem>>, vector<1x16xf32>,
        %get3A_240 = vector.shape_cast %get3A_239 : vector<1x16xf32> to vector<16xf32>
        %mul3A_241 = arith.constant 16 : i32
        %mul3A_242 = arith.muli %scan3A_233, %mul3A_241 : i32
        %add3A_243 = arith.constant 0 : i32
        %add3A_244 = arith.addi %mul3A_242, %add3A_243 : i32
        %slice3A = vector.extract_strided_slice %get3A_240 {offsets = [0], sizes = [1], strides = [1]} : vector<16xf32> to vector<1xf32>
        %squeeze3A = vector.extract %slice3A[0] : f32 from vector<1xf32>
        %get3A_245 = arith.index_cast %add3A_244 : i32 to index
        %get3A_246 = arith.constant 0 : index
        %get3A_247 = tpu.vector_load %arg14[%get3A_245, %get3A_246] {strides = array<i32>} : memref<400x16xf32, #tpu.memory_space<vmem>>, vector<1x16xf32>,
        %get3A_248 = vector.shape_cast %get3A_247 : vector<1x16xf32> to vector<16xf32>
        %get3A_249 = arith.index_cast %add3A_244 : i32 to index
        %get3A_250 = arith.constant 0 : index
        %get3A_251 = tpu.vector_load %arg16[%get3A_249, %get3A_250] {strides = array<i32>} : memref<400x16xf32, #tpu.memory_space<vmem>>, vector<1x16xf32>,
        %get3A_252 = vector.shape_cast %get3A_251 : vector<1x16xf32> to vector<16xf32>
        %mul3A_253 = arith.mulf %get3A_248, %get3A_252 : vector<16xf32>
        %mul3A_254 = vector.broadcast %squeeze3A : f32 to vector<16xf32>
        %mul3A_255 = arith.mulf %mul3A_254, %mul3A_253 : vector<16xf32>
        %add3A_256 = arith.addf %scan3A_234, %mul3A_255 : vector<16xf32>
        %mul3A_257 = arith.constant 16 : i32
        %mul3A_258 = arith.muli %scan3A_233, %mul3A_257 : i32
        %add3A_259 = arith.constant 1 : i32
        %add3A_260 = arith.addi %mul3A_258, %add3A_259 : i32
        %slice3A_261 = vector.extract_strided_slice %get3A_240 {offsets = [1], sizes = [1], strides = [1]} : vector<16xf32> to vector<1xf32>
        %squeeze3A_262 = vector.extract %slice3A_261[0] : f32 from vector<1xf32>
        %get3A_263 = arith.index_cast %add3A_260 : i32 to index
        %get3A_264 = arith.constant 0 : index
        %get3A_265 = tpu.vector_load %arg14[%get3A_263, %get3A_264] {strides = array<i32>} : memref<400x16xf32, #tpu.memory_space<vmem>>, vector<1x16xf32>,
        %get3A_266 = vector.shape_cast %get3A_265 : vector<1x16xf32> to vector<16xf32>
        %get3A_267 = arith.index_cast %add3A_260 : i32 to index
        %get3A_268 = arith.constant 0 : index
        %get3A_269 = tpu.vector_load %arg16[%get3A_267, %get3A_268] {strides = array<i32>} : memref<400x16xf32, #tpu.memory_space<vmem>>, vector<1x16xf32>,
        %get3A_270 = vector.shape_cast %get3A_269 : vector<1x16xf32> to vector<16xf32>
        %mul3A_271 = arith.mulf %get3A_266, %get3A_270 : vector<16xf32>
        %mul3A_272 = vector.broadcast %squeeze3A_262 : f32 to vector<16xf32>
        %mul3A_273 = arith.mulf %mul3A_272, %mul3A_271 : vector<16xf32>
        %add3A_274 = arith.addf %add3A_256, %mul3A_273 : vector<16xf32>
        %mul3A_275 = arith.constant 16 : i32
        %mul3A_276 = arith.muli %scan3A_233, %mul3A_275 : i32
        %add3A_277 = arith.constant 2 : i32
        %add3A_278 = arith.addi %mul3A_276, %add3A_277 : i32
        %slice3A_279 = vector.extract_strided_slice %get3A_240 {offsets = [2], sizes = [1], strides = [1]} : vector<16xf32> to vector<1xf32>
        %squeeze3A_280 = vector.extract %slice3A_279[0] : f32 from vector<1xf32>
        %get3A_281 = arith.index_cast %add3A_278 : i32 to index
        %get3A_282 = arith.constant 0 : index
        %get3A_283 = tpu.vector_load %arg14[%get3A_281, %get3A_282] {strides = array<i32>} : memref<400x16xf32, #tpu.memory_space<vmem>>, vector<1x16xf32>,
        %get3A_284 = vector.shape_cast %get3A_283 : vector<1x16xf32> to vector<16xf32>
        %get3A_285 = arith.index_cast %add3A_278 : i32 to index
        %get3A_286 = arith.constant 0 : index
        %get3A_287 = tpu.vector_load %arg16[%get3A_285, %get3A_286] {strides = array<i32>} : memref<400x16xf32, #tpu.memory_space<vmem>>, vector<1x16xf32>,
        %get3A_288 = vector.shape_cast %get3A_287 : vector<1x16xf32> to vector<16xf32>
        %mul3A_289 = arith.mulf %get3A_284, %get3A_288 : vector<16xf32>
        %mul3A_290 = vector.broadcast %squeeze3A_280 : f32 to vector<16xf32>
        %mul3A_291 = arith.mulf %mul3A_290, %mul3A_289 : vector<16xf32>
        %add3A_292 = arith.addf %add3A_274, %mul3A_291 : vector<16xf32>
        %mul3A_293 = arith.constant 16 : i32
        %mul3A_294 = arith.muli %scan3A_233, %mul3A_293 : i32
        %add3A_295 = arith.constant 3 : i32
        %add3A_296 = arith.addi %mul3A_294, %add3A_295 : i32
        %slice3A_297 = vector.extract_strided_slice %get3A_240 {offsets = [3], sizes = [1], strides = [1]} : vector<16xf32> to vector<1xf32>
        %squeeze3A_298 = vector.extract %slice3A_297[0] : f32 from vector<1xf32>
        %get3A_299 = arith.index_cast %add3A_296 : i32 to index
        %get3A_300 = arith.constant 0 : index
        %get3A_301 = tpu.vector_load %arg14[%get3A_299, %get3A_300] {strides = array<i32>} : memref<400x16xf32, #tpu.memory_space<vmem>>, vector<1x16xf32>,
        %get3A_302 = vector.shape_cast %get3A_301 : vector<1x16xf32> to vector<16xf32>
        %get3A_303 = arith.index_cast %add3A_296 : i32 to index
        %get3A_304 = arith.constant 0 : index
        %get3A_305 = tpu.vector_load %arg16[%get3A_303, %get3A_304] {strides = array<i32>} : memref<400x16xf32, #tpu.memory_space<vmem>>, vector<1x16xf32>,
        %get3A_306 = vector.shape_cast %get3A_305 : vector<1x16xf32> to vector<16xf32>
        %mul3A_307 = arith.mulf %get3A_302, %get3A_306 : vector<16xf32>
        %mul3A_308 = vector.broadcast %squeeze3A_298 : f32 to vector<16xf32>
        %mul3A_309 = arith.mulf %mul3A_308, %mul3A_307 : vector<16xf32>
        %add3A_310 = arith.addf %add3A_292, %mul3A_309 : vector<16xf32>
        %mul3A_311 = arith.constant 16 : i32
        %mul3A_312 = arith.muli %scan3A_233, %mul3A_311 : i32
        %add3A_313 = arith.constant 4 : i32
        %add3A_314 = arith.addi %mul3A_312, %add3A_313 : i32
        %slice3A_315 = vector.extract_strided_slice %get3A_240 {offsets = [4], sizes = [1], strides = [1]} : vector<16xf32> to vector<1xf32>
        %squeeze3A_316 = vector.extract %slice3A_315[0] : f32 from vector<1xf32>
        %get3A_317 = arith.index_cast %add3A_314 : i32 to index
        %get3A_318 = arith.constant 0 : index
        %get3A_319 = tpu.vector_load %arg14[%get3A_317, %get3A_318] {strides = array<i32>} : memref<400x16xf32, #tpu.memory_space<vmem>>, vector<1x16xf32>,
        %get3A_320 = vector.shape_cast %get3A_319 : vector<1x16xf32> to vector<16xf32>
        %get3A_321 = arith.index_cast %add3A_314 : i32 to index
        %get3A_322 = arith.constant 0 : index
        %get3A_323 = tpu.vector_load %arg16[%get3A_321, %get3A_322] {strides = array<i32>} : memref<400x16xf32, #tpu.memory_space<vmem>>, vector<1x16xf32>,
        %get3A_324 = vector.shape_cast %get3A_323 : vector<1x16xf32> to vector<16xf32>
        %mul3A_325 = arith.mulf %get3A_320, %get3A_324 : vector<16xf32>
        %mul3A_326 = vector.broadcast %squeeze3A_316 : f32 to vector<16xf32>
        %mul3A_327 = arith.mulf %mul3A_326, %mul3A_325 : vector<16xf32>
        %add3A_328 = arith.addf %add3A_310, %mul3A_327 : vector<16xf32>
        %mul3A_329 = arith.constant 16 : i32
        %mul3A_330 = arith.muli %scan3A_233, %mul3A_329 : i32
        %add3A_331 = arith.constant 5 : i32
        %add3A_332 = arith.addi %mul3A_330, %add3A_331 : i32
        %slice3A_333 = vector.extract_strided_slice %get3A_240 {offsets = [5], sizes = [1], strides = [1]} : vector<16xf32> to vector<1xf32>
        %squeeze3A_334 = vector.extract %slice3A_333[0] : f32 from vector<1xf32>
        %get3A_335 = arith.index_cast %add3A_332 : i32 to index
        %get3A_336 = arith.constant 0 : index
        %get3A_337 = tpu.vector_load %arg14[%get3A_335, %get3A_336] {strides = array<i32>} : memref<400x16xf32, #tpu.memory_space<vmem>>, vector<1x16xf32>,
        %get3A_338 = vector.shape_cast %get3A_337 : vector<1x16xf32> to vector<16xf32>
        %get3A_339 = arith.index_cast %add3A_332 : i32 to index
        %get3A_340 = arith.constant 0 : index
        %get3A_341 = tpu.vector_load %arg16[%get3A_339, %get3A_340] {strides = array<i32>} : memref<400x16xf32, #tpu.memory_space<vmem>>, vector<1x16xf32>,
        %get3A_342 = vector.shape_cast %get3A_341 : vector<1x16xf32> to vector<16xf32>
        %mul3A_343 = arith.mulf %get3A_338, %get3A_342 : vector<16xf32>
        %mul3A_344 = vector.broadcast %squeeze3A_334 : f32 to vector<16xf32>
        %mul3A_345 = arith.mulf %mul3A_344, %mul3A_343 : vector<16xf32>
        %add3A_346 = arith.addf %add3A_328, %mul3A_345 : vector<16xf32>
        %mul3A_347 = arith.constant 16 : i32
        %mul3A_348 = arith.muli %scan3A_233, %mul3A_347 : i32
        %add3A_349 = arith.constant 6 : i32
        %add3A_350 = arith.addi %mul3A_348, %add3A_349 : i32
        %slice3A_351 = vector.extract_strided_slice %get3A_240 {offsets = [6], sizes = [1], strides = [1]} : vector<16xf32> to vector<1xf32>
        %squeeze3A_352 = vector.extract %slice3A_351[0] : f32 from vector<1xf32>
        %get3A_353 = arith.index_cast %add3A_350 : i32 to index
        %get3A_354 = arith.constant 0 : index
        %get3A_355 = tpu.vector_load %arg14[%get3A_353, %get3A_354] {strides = array<i32>} : memref<400x16xf32, #tpu.memory_space<vmem>>, vector<1x16xf32>,
        %get3A_356 = vector.shape_cast %get3A_355 : vector<1x16xf32> to vector<16xf32>
        %get3A_357 = arith.index_cast %add3A_350 : i32 to index
        %get3A_358 = arith.constant 0 : index
        %get3A_359 = tpu.vector_load %arg16[%get3A_357, %get3A_358] {strides = array<i32>} : memref<400x16xf32, #tpu.memory_space<vmem>>, vector<1x16xf32>,
        %get3A_360 = vector.shape_cast %get3A_359 : vector<1x16xf32> to vector<16xf32>
        %mul3A_361 = arith.mulf %get3A_356, %get3A_360 : vector<16xf32>
        %mul3A_362 = vector.broadcast %squeeze3A_352 : f32 to vector<16xf32>
        %mul3A_363 = arith.mulf %mul3A_362, %mul3A_361 : vector<16xf32>
        %add3A_364 = arith.addf %add3A_346, %mul3A_363 : vector<16xf32>
        %mul3A_365 = arith.constant 16 : i32
        %mul3A_366 = arith.muli %scan3A_233, %mul3A_365 : i32
        %add3A_367 = arith.constant 7 : i32
        %add3A_368 = arith.addi %mul3A_366, %add3A_367 : i32
        %slice3A_369 = vector.extract_strided_slice %get3A_240 {offsets = [7], sizes = [1], strides = [1]} : vector<16xf32> to vector<1xf32>
        %squeeze3A_370 = vector.extract %slice3A_369[0] : f32 from vector<1xf32>
        %get3A_371 = arith.index_cast %add3A_368 : i32 to index
        %get3A_372 = arith.constant 0 : index
        %get3A_373 = tpu.vector_load %arg14[%get3A_371, %get3A_372] {strides = array<i32>} : memref<400x16xf32, #tpu.memory_space<vmem>>, vector<1x16xf32>,
        %get3A_374 = vector.shape_cast %get3A_373 : vector<1x16xf32> to vector<16xf32>
        %get3A_375 = arith.index_cast %add3A_368 : i32 to index
        %get3A_376 = arith.constant 0 : index
        %get3A_377 = tpu.vector_load %arg16[%get3A_375, %get3A_376] {strides = array<i32>} : memref<400x16xf32, #tpu.memory_space<vmem>>, vector<1x16xf32>,
        %get3A_378 = vector.shape_cast %get3A_377 : vector<1x16xf32> to vector<16xf32>
        %mul3A_379 = arith.mulf %get3A_374, %get3A_378 : vector<16xf32>
        %mul3A_380 = vector.broadcast %squeeze3A_370 : f32 to vector<16xf32>
        %mul3A_381 = arith.mulf %mul3A_380, %mul3A_379 : vector<16xf32>
        %add3A_382 = arith.addf %add3A_364, %mul3A_381 : vector<16xf32>
        %mul3A_383 = arith.constant 16 : i32
        %mul3A_384 = arith.muli %scan3A_233, %mul3A_383 : i32
        %add3A_385 = arith.constant 8 : i32
        %add3A_386 = arith.addi %mul3A_384, %add3A_385 : i32
        %slice3A_387 = vector.extract_strided_slice %get3A_240 {offsets = [8], sizes = [1], strides = [1]} : vector<16xf32> to vector<1xf32>
        %squeeze3A_388 = vector.extract %slice3A_387[0] : f32 from vector<1xf32>
        %get3A_389 = arith.index_cast %add3A_386 : i32 to index
        %get3A_390 = arith.constant 0 : index
        %get3A_391 = tpu.vector_load %arg14[%get3A_389, %get3A_390] {strides = array<i32>} : memref<400x16xf32, #tpu.memory_space<vmem>>, vector<1x16xf32>,
        %get3A_392 = vector.shape_cast %get3A_391 : vector<1x16xf32> to vector<16xf32>
        %get3A_393 = arith.index_cast %add3A_386 : i32 to index
        %get3A_394 = arith.constant 0 : index
        %get3A_395 = tpu.vector_load %arg16[%get3A_393, %get3A_394] {strides = array<i32>} : memref<400x16xf32, #tpu.memory_space<vmem>>, vector<1x16xf32>,
        %get3A_396 = vector.shape_cast %get3A_395 : vector<1x16xf32> to vector<16xf32>
        %mul3A_397 = arith.mulf %get3A_392, %get3A_396 : vector<16xf32>
        %mul3A_398 = vector.broadcast %squeeze3A_388 : f32 to vector<16xf32>
        %mul3A_399 = arith.mulf %mul3A_398, %mul3A_397 : vector<16xf32>
        %add3A_400 = arith.addf %add3A_382, %mul3A_399 : vector<16xf32>
        %mul3A_401 = arith.constant 16 : i32
        %mul3A_402 = arith.muli %scan3A_233, %mul3A_401 : i32
        %add3A_403 = arith.constant 9 : i32
        %add3A_404 = arith.addi %mul3A_402, %add3A_403 : i32
        %slice3A_405 = vector.extract_strided_slice %get3A_240 {offsets = [9], sizes = [1], strides = [1]} : vector<16xf32> to vector<1xf32>
        %squeeze3A_406 = vector.extract %slice3A_405[0] : f32 from vector<1xf32>
        %get3A_407 = arith.index_cast %add3A_404 : i32 to index
        %get3A_408 = arith.constant 0 : index
        %get3A_409 = tpu.vector_load %arg14[%get3A_407, %get3A_408] {strides = array<i32>} : memref<400x16xf32, #tpu.memory_space<vmem>>, vector<1x16xf32>,
        %get3A_410 = vector.shape_cast %get3A_409 : vector<1x16xf32> to vector<16xf32>
        %get3A_411 = arith.index_cast %add3A_404 : i32 to index
        %get3A_412 = arith.constant 0 : index
        %get3A_413 = tpu.vector_load %arg16[%get3A_411, %get3A_412] {strides = array<i32>} : memref<400x16xf32, #tpu.memory_space<vmem>>, vector<1x16xf32>,
        %get3A_414 = vector.shape_cast %get3A_413 : vector<1x16xf32> to vector<16xf32>
        %mul3A_415 = arith.mulf %get3A_410, %get3A_414 : vector<16xf32>
        %mul3A_416 = vector.broadcast %squeeze3A_406 : f32 to vector<16xf32>
        %mul3A_417 = arith.mulf %mul3A_416, %mul3A_415 : vector<16xf32>
        %add3A_418 = arith.addf %add3A_400, %mul3A_417 : vector<16xf32>
        %mul3A_419 = arith.constant 16 : i32
        %mul3A_420 = arith.muli %scan3A_233, %mul3A_419 : i32
        %add3A_421 = arith.constant 10 : i32
        %add3A_422 = arith.addi %mul3A_420, %add3A_421 : i32
        %slice3A_423 = vector.extract_strided_slice %get3A_240 {offsets = [10], sizes = [1], strides = [1]} : vector<16xf32> to vector<1xf32>
        %squeeze3A_424 = vector.extract %slice3A_423[0] : f32 from vector<1xf32>
        %get3A_425 = arith.index_cast %add3A_422 : i32 to index
        %get3A_426 = arith.constant 0 : index
        %get3A_427 = tpu.vector_load %arg14[%get3A_425, %get3A_426] {strides = array<i32>} : memref<400x16xf32, #tpu.memory_space<vmem>>, vector<1x16xf32>,
        %get3A_428 = vector.shape_cast %get3A_427 : vector<1x16xf32> to vector<16xf32>
        %get3A_429 = arith.index_cast %add3A_422 : i32 to index
        %get3A_430 = arith.constant 0 : index
        %get3A_431 = tpu.vector_load %arg16[%get3A_429, %get3A_430] {strides = array<i32>} : memref<400x16xf32, #tpu.memory_space<vmem>>, vector<1x16xf32>,
        %get3A_432 = vector.shape_cast %get3A_431 : vector<1x16xf32> to vector<16xf32>
        %mul3A_433 = arith.mulf %get3A_428, %get3A_432 : vector<16xf32>
        %mul3A_434 = vector.broadcast %squeeze3A_424 : f32 to vector<16xf32>
        %mul3A_435 = arith.mulf %mul3A_434, %mul3A_433 : vector<16xf32>
        %add3A_436 = arith.addf %add3A_418, %mul3A_435 : vector<16xf32>
        %mul3A_437 = arith.constant 16 : i32
        %mul3A_438 = arith.muli %scan3A_233, %mul3A_437 : i32
        %add3A_439 = arith.constant 11 : i32
        %add3A_440 = arith.addi %mul3A_438, %add3A_439 : i32
        %slice3A_441 = vector.extract_strided_slice %get3A_240 {offsets = [11], sizes = [1], strides = [1]} : vector<16xf32> to vector<1xf32>
        %squeeze3A_442 = vector.extract %slice3A_441[0] : f32 from vector<1xf32>
        %get3A_443 = arith.index_cast %add3A_440 : i32 to index
        %get3A_444 = arith.constant 0 : index
        %get3A_445 = tpu.vector_load %arg14[%get3A_443, %get3A_444] {strides = array<i32>} : memref<400x16xf32, #tpu.memory_space<vmem>>, vector<1x16xf32>,
        %get3A_446 = vector.shape_cast %get3A_445 : vector<1x16xf32> to vector<16xf32>
        %get3A_447 = arith.index_cast %add3A_440 : i32 to index
        %get3A_448 = arith.constant 0 : index
        %get3A_449 = tpu.vector_load %arg16[%get3A_447, %get3A_448] {strides = array<i32>} : memref<400x16xf32, #tpu.memory_space<vmem>>, vector<1x16xf32>,
        %get3A_450 = vector.shape_cast %get3A_449 : vector<1x16xf32> to vector<16xf32>
        %mul3A_451 = arith.mulf %get3A_446, %get3A_450 : vector<16xf32>
        %mul3A_452 = vector.broadcast %squeeze3A_442 : f32 to vector<16xf32>
        %mul3A_453 = arith.mulf %mul3A_452, %mul3A_451 : vector<16xf32>
        %add3A_454 = arith.addf %add3A_436, %mul3A_453 : vector<16xf32>
        %mul3A_455 = arith.constant 16 : i32
        %mul3A_456 = arith.muli %scan3A_233, %mul3A_455 : i32
        %add3A_457 = arith.constant 12 : i32
        %add3A_458 = arith.addi %mul3A_456, %add3A_457 : i32
        %slice3A_459 = vector.extract_strided_slice %get3A_240 {offsets = [12], sizes = [1], strides = [1]} : vector<16xf32> to vector<1xf32>
        %squeeze3A_460 = vector.extract %slice3A_459[0] : f32 from vector<1xf32>
        %get3A_461 = arith.index_cast %add3A_458 : i32 to index
        %get3A_462 = arith.constant 0 : index
        %get3A_463 = tpu.vector_load %arg14[%get3A_461, %get3A_462] {strides = array<i32>} : memref<400x16xf32, #tpu.memory_space<vmem>>, vector<1x16xf32>,
        %get3A_464 = vector.shape_cast %get3A_463 : vector<1x16xf32> to vector<16xf32>
        %get3A_465 = arith.index_cast %add3A_458 : i32 to index
        %get3A_466 = arith.constant 0 : index
        %get3A_467 = tpu.vector_load %arg16[%get3A_465, %get3A_466] {strides = array<i32>} : memref<400x16xf32, #tpu.memory_space<vmem>>, vector<1x16xf32>,
        %get3A_468 = vector.shape_cast %get3A_467 : vector<1x16xf32> to vector<16xf32>
        %mul3A_469 = arith.mulf %get3A_464, %get3A_468 : vector<16xf32>
        %mul3A_470 = vector.broadcast %squeeze3A_460 : f32 to vector<16xf32>
        %mul3A_471 = arith.mulf %mul3A_470, %mul3A_469 : vector<16xf32>
        %add3A_472 = arith.addf %add3A_454, %mul3A_471 : vector<16xf32>
        %mul3A_473 = arith.constant 16 : i32
        %mul3A_474 = arith.muli %scan3A_233, %mul3A_473 : i32
        %add3A_475 = arith.constant 13 : i32
        %add3A_476 = arith.addi %mul3A_474, %add3A_475 : i32
        %slice3A_477 = vector.extract_strided_slice %get3A_240 {offsets = [13], sizes = [1], strides = [1]} : vector<16xf32> to vector<1xf32>
        %squeeze3A_478 = vector.extract %slice3A_477[0] : f32 from vector<1xf32>
        %get3A_479 = arith.index_cast %add3A_476 : i32 to index
        %get3A_480 = arith.constant 0 : index
        %get3A_481 = tpu.vector_load %arg14[%get3A_479, %get3A_480] {strides = array<i32>} : memref<400x16xf32, #tpu.memory_space<vmem>>, vector<1x16xf32>,
        %get3A_482 = vector.shape_cast %get3A_481 : vector<1x16xf32> to vector<16xf32>
        %get3A_483 = arith.index_cast %add3A_476 : i32 to index
        %get3A_484 = arith.constant 0 : index
        %get3A_485 = tpu.vector_load %arg16[%get3A_483, %get3A_484] {strides = array<i32>} : memref<400x16xf32, #tpu.memory_space<vmem>>, vector<1x16xf32>,
        %get3A_486 = vector.shape_cast %get3A_485 : vector<1x16xf32> to vector<16xf32>
        %mul3A_487 = arith.mulf %get3A_482, %get3A_486 : vector<16xf32>
        %mul3A_488 = vector.broadcast %squeeze3A_478 : f32 to vector<16xf32>
        %mul3A_489 = arith.mulf %mul3A_488, %mul3A_487 : vector<16xf32>
        %add3A_490 = arith.addf %add3A_472, %mul3A_489 : vector<16xf32>
        %mul3A_491 = arith.constant 16 : i32
        %mul3A_492 = arith.muli %scan3A_233, %mul3A_491 : i32
        %add3A_493 = arith.constant 14 : i32
        %add3A_494 = arith.addi %mul3A_492, %add3A_493 : i32
        %slice3A_495 = vector.extract_strided_slice %get3A_240 {offsets = [14], sizes = [1], strides = [1]} : vector<16xf32> to vector<1xf32>
        %squeeze3A_496 = vector.extract %slice3A_495[0] : f32 from vector<1xf32>
        %get3A_497 = arith.index_cast %add3A_494 : i32 to index
        %get3A_498 = arith.constant 0 : index
        %get3A_499 = tpu.vector_load %arg14[%get3A_497, %get3A_498] {strides = array<i32>} : memref<400x16xf32, #tpu.memory_space<vmem>>, vector<1x16xf32>,
        %get3A_500 = vector.shape_cast %get3A_499 : vector<1x16xf32> to vector<16xf32>
        %get3A_501 = arith.index_cast %add3A_494 : i32 to index
        %get3A_502 = arith.constant 0 : index
        %get3A_503 = tpu.vector_load %arg16[%get3A_501, %get3A_502] {strides = array<i32>} : memref<400x16xf32, #tpu.memory_space<vmem>>, vector<1x16xf32>,
        %get3A_504 = vector.shape_cast %get3A_503 : vector<1x16xf32> to vector<16xf32>
        %mul3A_505 = arith.mulf %get3A_500, %get3A_504 : vector<16xf32>
        %mul3A_506 = vector.broadcast %squeeze3A_496 : f32 to vector<16xf32>
        %mul3A_507 = arith.mulf %mul3A_506, %mul3A_505 : vector<16xf32>
        %add3A_508 = arith.addf %add3A_490, %mul3A_507 : vector<16xf32>
        %mul3A_509 = arith.constant 16 : i32
        %mul3A_510 = arith.muli %scan3A_233, %mul3A_509 : i32
        %add3A_511 = arith.constant 15 : i32
        %add3A_512 = arith.addi %mul3A_510, %add3A_511 : i32
        %slice3A_513 = vector.extract_strided_slice %get3A_240 {offsets = [15], sizes = [1], strides = [1]} : vector<16xf32> to vector<1xf32>
        %squeeze3A_514 = vector.extract %slice3A_513[0] : f32 from vector<1xf32>
        %get3A_515 = arith.index_cast %add3A_512 : i32 to index
        %get3A_516 = arith.constant 0 : index
        %get3A_517 = tpu.vector_load %arg14[%get3A_515, %get3A_516] {strides = array<i32>} : memref<400x16xf32, #tpu.memory_space<vmem>>, vector<1x16xf32>,
        %get3A_518 = vector.shape_cast %get3A_517 : vector<1x16xf32> to vector<16xf32>
        %get3A_519 = arith.index_cast %add3A_512 : i32 to index
        %get3A_520 = arith.constant 0 : index
        %get3A_521 = tpu.vector_load %arg16[%get3A_519, %get3A_520] {strides = array<i32>} : memref<400x16xf32, #tpu.memory_space<vmem>>, vector<1x16xf32>,
        %get3A_522 = vector.shape_cast %get3A_521 : vector<1x16xf32> to vector<16xf32>
        %mul3A_523 = arith.mulf %get3A_518, %get3A_522 : vector<16xf32>
        %mul3A_524 = vector.broadcast %squeeze3A_514 : f32 to vector<16xf32>
        %mul3A_525 = arith.mulf %mul3A_524, %mul3A_523 : vector<16xf32>
        %add3A_526 = arith.addf %add3A_508, %mul3A_525 : vector<16xf32>
        scf.yield %add3A_526 : vector<16xf32>
      }
      %scan3A_188 = arith.constant 25 : i32
      %add3A_189 = arith.constant 2 : i32
      %add3A_190 = arith.addi %mul3A_121, %add3A_189 : i32
      %lt3A = arith.constant 250 : i32
      %lt3A_191 = arith.cmpi slt, %add3A_190, %lt3A : i32
      %convert_element_type3A = arith.extui %lt3A_191 : i1 to i32
      %cond3A = arith.constant 0 : i32
      %cond3A_192 = arith.cmpi ne, %convert_element_type3A, %cond3A : i32
      scf.if %cond3A_192 {
        %add3A_233 = arith.constant 2 : i32
        %add3A_234 = arith.addi %mul3A_121, %add3A_233 : i32
        %mul3A_235 = arith.constant 250 : i32
        %mul3A_236 = arith.muli %add3A, %mul3A_235 : i32
        %add3A_237 = arith.addi %mul3A_236, %add3A_234 : i32
        %mul3A_238 = arith.constant 1 : i32
        %mul3A_239 = arith.muli %add3A_237, %mul3A_238 : i32
        %mul3A_240 = arith.constant 1 : i32
        %mul3A_241 = arith.muli %add3A_237, %mul3A_240 : i32
        %dma_start3A_242 = arith.constant 0 : i32
        %dma_start3A_243 = tpu.memref_slice %arg5[%mul3A_239, %dma_start3A_242] : memref<8000x400xi32, #tpu.memory_space<hbm>> -> memref<1x400xi32, #tpu.memory_space<hbm>>
        %dma_start3A_244 = arith.constant 0 : i32
        %dma_start3A_245 = tpu.memref_slice %arg5[%mul3A_239, %dma_start3A_244] : memref<8000x400xi32, #tpu.memory_space<hbm>> -> memref<1x400xi32, #tpu.memory_space<hbm>>
        tpu.enqueue_dma source(%dma_start3A_245 : memref<1x400xi32, #tpu.memory_space<hbm>>) target(%arg8 : memref<1x400xi32, #tpu.memory_space<vmem>>) target_semaphore(%arg20 : memref<!tpu.dma_semaphore, #tpu.memory_space<semaphore_mem>>)
        %dma_start3A_246 = arith.constant 0 : i32
        %dma_start3A_247 = tpu.memref_slice %arg6[%mul3A_241, %dma_start3A_246] : memref<8000x400xi32, #tpu.memory_space<hbm>> -> memref<1x400xi32, #tpu.memory_space<hbm>>
        %dma_start3A_248 = arith.constant 0 : i32
        %dma_start3A_249 = tpu.memref_slice %arg6[%mul3A_241, %dma_start3A_248] : memref<8000x400xi32, #tpu.memory_space<hbm>> -> memref<1x400xi32, #tpu.memory_space<hbm>>
        tpu.enqueue_dma source(%dma_start3A_249 : memref<1x400xi32, #tpu.memory_space<hbm>>) target(%arg10 : memref<1x400xi32, #tpu.memory_space<vmem>>) target_semaphore(%arg20 : memref<!tpu.dma_semaphore, #tpu.memory_space<semaphore_mem>>)
        %dma_start3A_250 = arith.constant 0 : i32
        %dma_start3A_251 = tpu.memref_slice %arg4[%add3A_237, %dma_start3A_250] : memref<8000x400xf32, #tpu.memory_space<hbm>> -> memref<1x400xf32, #tpu.memory_space<hbm>>
        %dma_start3A_252 = arith.constant 0 : i32
        %dma_start3A_253 = tpu.memref_slice %arg4[%add3A_237, %dma_start3A_252] : memref<8000x400xf32, #tpu.memory_space<hbm>> -> memref<1x400xf32, #tpu.memory_space<hbm>>
        tpu.enqueue_dma source(%dma_start3A_253 : memref<1x400xf32, #tpu.memory_space<hbm>>) target(%arg12 : memref<1x400xf32, #tpu.memory_space<vmem>>) target_semaphore(%arg20 : memref<!tpu.dma_semaphore, #tpu.memory_space<semaphore_mem>>)
      } else {
      }
      %dma_wait3A_193 = arith.constant 0 : i32
      %dma_wait3A_194 = arith.constant 0 : i32
      %dma_wait3A_195 = arith.constant 0 : i32
      %dma_wait3A_196 = tpu.memref_slice %arg15[%dma_wait3A_194, %dma_wait3A_195] : memref<400x16xf32, #tpu.memory_space<vmem>> -> memref<400x16xf32, #tpu.memory_space<vmem>>
      %dma_wait3A_197 = arith.constant 0 : i32
      %dma_wait3A_198 = tpu.memref_slice %arg9[%dma_wait3A_193, %dma_wait3A_197] : memref<1x400xi32, #tpu.memory_space<vmem>> -> memref<1x400xi32, #tpu.memory_space<vmem>>
      %dma_wait3A_199 = tpu.memref_squeeze %dma_wait3A_198 : memref<1x400xi32, #tpu.memory_space<vmem>> -> memref<400xi32, #tpu.memory_space<vmem>>
      %dma_wait3A_200 = arith.constant 0 : i32
      %dma_wait3A_201 = arith.constant 0 : i32
      %dma_wait3A_202 = tpu.memref_slice %arg19[%dma_wait3A_200, %dma_wait3A_201] : memref<100000x16xf32, #tpu.memory_space<vmem_shared>> -> memref<100000x16xf32, #tpu.memory_space<vmem_shared>>
      tpu.wait_indirect_dma semaphore(%arg23 : memref<!tpu.dma_semaphore, #tpu.memory_space<semaphore_mem>>) src(%dma_wait3A_202 : memref<100000x16xf32, #tpu.memory_space<vmem_shared>>) dst(%dma_wait3A_196 : memref<400x16xf32, #tpu.memory_space<vmem>>)
      %dma_wait3A_203 = arith.constant 0 : i32
      %dma_wait3A_204 = arith.constant 0 : i32
      %dma_wait3A_205 = arith.constant 0 : i32
      %dma_wait3A_206 = tpu.memref_slice %arg17[%dma_wait3A_204, %dma_wait3A_205] : memref<400x16xf32, #tpu.memory_space<vmem>> -> memref<400x16xf32, #tpu.memory_space<vmem>>
      %dma_wait3A_207 = arith.constant 0 : i32
      %dma_wait3A_208 = tpu.memref_slice %arg11[%dma_wait3A_203, %dma_wait3A_207] : memref<1x400xi32, #tpu.memory_space<vmem>> -> memref<1x400xi32, #tpu.memory_space<vmem>>
      %dma_wait3A_209 = tpu.memref_squeeze %dma_wait3A_208 : memref<1x400xi32, #tpu.memory_space<vmem>> -> memref<400xi32, #tpu.memory_space<vmem>>
      %dma_wait3A_210 = arith.constant 0 : i32
      %dma_wait3A_211 = arith.constant 0 : i32
      %dma_wait3A_212 = tpu.memref_slice %arg19[%dma_wait3A_210, %dma_wait3A_211] : memref<100000x16xf32, #tpu.memory_space<vmem_shared>> -> memref<100000x16xf32, #tpu.memory_space<vmem_shared>>
      tpu.wait_indirect_dma semaphore(%arg23 : memref<!tpu.dma_semaphore, #tpu.memory_space<semaphore_mem>>) src(%dma_wait3A_212 : memref<100000x16xf32, #tpu.memory_space<vmem_shared>>) dst(%dma_wait3A_206 : memref<400x16xf32, #tpu.memory_space<vmem>>)
      %add3A_213 = arith.constant 2 : i32
      %add3A_214 = arith.addi %mul3A_121, %add3A_213 : i32
      %lt3A_215 = arith.constant 250 : i32
      %lt3A_216 = arith.cmpi slt, %add3A_214, %lt3A_215 : i32
      %convert_element_type3A_217 = arith.extui %lt3A_216 : i1 to i32
      %cond3A_218 = arith.constant 0 : i32
      %cond3A_219 = arith.cmpi ne, %convert_element_type3A_217, %cond3A_218 : i32
      scf.if %cond3A_219 {
        %add3A_233 = arith.constant 2 : i32
        %add3A_234 = arith.addi %mul3A_121, %add3A_233 : i32
        %mul3A_235 = arith.constant 250 : i32
        %mul3A_236 = arith.muli %add3A, %mul3A_235 : i32
        %add3A_237 = arith.addi %mul3A_236, %add3A_234 : i32
        %mul3A_238 = arith.constant 1 : i32
        %mul3A_239 = arith.muli %add3A_237, %mul3A_238 : i32
        %mul3A_240 = arith.constant 1 : i32
        %mul3A_241 = arith.muli %add3A_237, %mul3A_240 : i32
        %dma_wait3A_242 = arith.constant 0 : i32
        %dma_wait3A_243 = tpu.memref_slice %arg5[%mul3A_239, %dma_wait3A_242] : memref<8000x400xi32, #tpu.memory_space<hbm>> -> memref<1x400xi32, #tpu.memory_space<hbm>>
        %dma_wait3A_244 = arith.constant 0 : i32
        %dma_wait3A_245 = tpu.memref_slice %arg5[%mul3A_239, %dma_wait3A_244] : memref<8000x400xi32, #tpu.memory_space<hbm>> -> memref<1x400xi32, #tpu.memory_space<hbm>>
        tpu.wait_dma2 semaphore(%arg20 : memref<!tpu.dma_semaphore, #tpu.memory_space<semaphore_mem>>) src(%dma_wait3A_245 : memref<1x400xi32, #tpu.memory_space<hbm>>) dst(%arg8 : memref<1x400xi32, #tpu.memory_space<vmem>>)
        %dma_wait3A_246 = arith.constant 0 : i32
        %dma_wait3A_247 = tpu.memref_slice %arg6[%mul3A_241, %dma_wait3A_246] : memref<8000x400xi32, #tpu.memory_space<hbm>> -> memref<1x400xi32, #tpu.memory_space<hbm>>
        %dma_wait3A_248 = arith.constant 0 : i32
        %dma_wait3A_249 = tpu.memref_slice %arg6[%mul3A_241, %dma_wait3A_248] : memref<8000x400xi32, #tpu.memory_space<hbm>> -> memref<1x400xi32, #tpu.memory_space<hbm>>
        tpu.wait_dma2 semaphore(%arg20 : memref<!tpu.dma_semaphore, #tpu.memory_space<semaphore_mem>>) src(%dma_wait3A_249 : memref<1x400xi32, #tpu.memory_space<hbm>>) dst(%arg10 : memref<1x400xi32, #tpu.memory_space<vmem>>)
        %dma_wait3A_250 = arith.constant 0 : i32
        %dma_wait3A_251 = tpu.memref_slice %arg4[%add3A_237, %dma_wait3A_250] : memref<8000x400xf32, #tpu.memory_space<hbm>> -> memref<1x400xf32, #tpu.memory_space<hbm>>
        %dma_wait3A_252 = arith.constant 0 : i32
        %dma_wait3A_253 = tpu.memref_slice %arg4[%add3A_237, %dma_wait3A_252] : memref<8000x400xf32, #tpu.memory_space<hbm>> -> memref<1x400xf32, #tpu.memory_space<hbm>>
        tpu.wait_dma2 semaphore(%arg20 : memref<!tpu.dma_semaphore, #tpu.memory_space<semaphore_mem>>) src(%dma_wait3A_253 : memref<1x400xf32, #tpu.memory_space<hbm>>) dst(%arg12 : memref<1x400xf32, #tpu.memory_space<vmem>>)
        %dma_start3A_254 = arith.constant 0 : i32
        %dma_start3A_255 = arith.constant 0 : i32
        %dma_start3A_256 = arith.constant 0 : i32
        %dma_start3A_257 = tpu.memref_slice %arg14[%dma_start3A_255, %dma_start3A_256] : memref<400x16xf32, #tpu.memory_space<vmem>> -> memref<400x16xf32, #tpu.memory_space<vmem>>
        %dma_start3A_258 = arith.constant 0 : i32
        %dma_start3A_259 = tpu.memref_slice %arg8[%dma_start3A_254, %dma_start3A_258] : memref<1x400xi32, #tpu.memory_space<vmem>> -> memref<1x400xi32, #tpu.memory_space<vmem>>
        %dma_start3A_260 = tpu.memref_squeeze %dma_start3A_259 : memref<1x400xi32, #tpu.memory_space<vmem>> -> memref<400xi32, #tpu.memory_space<vmem>>
        %dma_start3A_261 = arith.constant 0 : i32
        %dma_start3A_262 = arith.constant 0 : i32
        %dma_start3A_263 = tpu.memref_slice %arg19[%dma_start3A_261, %dma_start3A_262] : memref<100000x16xf32, #tpu.memory_space<vmem_shared>> -> memref<100000x16xf32, #tpu.memory_space<vmem_shared>>
        tpu.enqueue_indirect_dma source(%dma_start3A_263 : memref<100000x16xf32, #tpu.memory_space<vmem_shared>>) target(%dma_start3A_257 : memref<400x16xf32, #tpu.memory_space<vmem>>) offsets(%dma_start3A_260 : memref<400xi32, #tpu.memory_space<vmem>>) semaphore(%arg22 : memref<!tpu.dma_semaphore, #tpu.memory_space<semaphore_mem>>)
        %dma_start3A_264 = arith.constant 0 : i32
        %dma_start3A_265 = arith.constant 0 : i32
        %dma_start3A_266 = arith.constant 0 : i32
        %dma_start3A_267 = tpu.memref_slice %arg16[%dma_start3A_265, %dma_start3A_266] : memref<400x16xf32, #tpu.memory_space<vmem>> -> memref<400x16xf32, #tpu.memory_space<vmem>>
        %dma_start3A_268 = arith.constant 0 : i32
        %dma_start3A_269 = tpu.memref_slice %arg10[%dma_start3A_264, %dma_start3A_268] : memref<1x400xi32, #tpu.memory_space<vmem>> -> memref<1x400xi32, #tpu.memory_space<vmem>>
        %dma_start3A_270 = tpu.memref_squeeze %dma_start3A_269 : memref<1x400xi32, #tpu.memory_space<vmem>> -> memref<400xi32, #tpu.memory_space<vmem>>
        %dma_start3A_271 = arith.constant 0 : i32
        %dma_start3A_272 = arith.constant 0 : i32
        %dma_start3A_273 = tpu.memref_slice %arg19[%dma_start3A_271, %dma_start3A_272] : memref<100000x16xf32, #tpu.memory_space<vmem_shared>> -> memref<100000x16xf32, #tpu.memory_space<vmem_shared>>
        tpu.enqueue_indirect_dma source(%dma_start3A_273 : memref<100000x16xf32, #tpu.memory_space<vmem_shared>>) target(%dma_start3A_267 : memref<400x16xf32, #tpu.memory_space<vmem>>) offsets(%dma_start3A_270 : memref<400xi32, #tpu.memory_space<vmem>>) semaphore(%arg22 : memref<!tpu.dma_semaphore, #tpu.memory_space<semaphore_mem>>)
      } else {
      }
      %scan3A_220 = arith.constant 0 : i32
      %scan3A_221 = arith.constant 25 : i32
      %scan3A_222 = arith.addi %scan3A_220, %scan3A_221 : i32
      %scan3A_223 = arith.constant 1 : i32
      %scan3A_224 = scf.for %scan3A_233 = %scan3A_220 to %scan3A_222 step %scan3A_223 iter_args(%scan3A_234 = %scan3A_187) -> (vector<16xf32>)  : i32 {
        %mul3A_235 = arith.constant 16 : i32
        %mul3A_236 = arith.muli %scan3A_233, %mul3A_235 : i32
        %get3A = arith.constant 0 : i32
        %get3A_237 = arith.index_cast %get3A : i32 to index
        %get3A_238 = arith.index_cast %mul3A_236 : i32 to index
        %get3A_239 = tpu.vector_load %arg13[%get3A_237, %get3A_238] {strides = array<i32>} : memref<1x400xf32, #tpu.memory_space<vmem>>, vector<1x16xf32>,
        %get3A_240 = vector.shape_cast %get3A_239 : vector<1x16xf32> to vector<16xf32>
        %mul3A_241 = arith.constant 16 : i32
        %mul3A_242 = arith.muli %scan3A_233, %mul3A_241 : i32
        %add3A_243 = arith.constant 0 : i32
        %add3A_244 = arith.addi %mul3A_242, %add3A_243 : i32
        %slice3A = vector.extract_strided_slice %get3A_240 {offsets = [0], sizes = [1], strides = [1]} : vector<16xf32> to vector<1xf32>
        %squeeze3A = vector.extract %slice3A[0] : f32 from vector<1xf32>
        %get3A_245 = arith.index_cast %add3A_244 : i32 to index
        %get3A_246 = arith.constant 0 : index
        %get3A_247 = tpu.vector_load %arg15[%get3A_245, %get3A_246] {strides = array<i32>} : memref<400x16xf32, #tpu.memory_space<vmem>>, vector<1x16xf32>,
        %get3A_248 = vector.shape_cast %get3A_247 : vector<1x16xf32> to vector<16xf32>
        %get3A_249 = arith.index_cast %add3A_244 : i32 to index
        %get3A_250 = arith.constant 0 : index
        %get3A_251 = tpu.vector_load %arg17[%get3A_249, %get3A_250] {strides = array<i32>} : memref<400x16xf32, #tpu.memory_space<vmem>>, vector<1x16xf32>,
        %get3A_252 = vector.shape_cast %get3A_251 : vector<1x16xf32> to vector<16xf32>
        %mul3A_253 = arith.mulf %get3A_248, %get3A_252 : vector<16xf32>
        %mul3A_254 = vector.broadcast %squeeze3A : f32 to vector<16xf32>
        %mul3A_255 = arith.mulf %mul3A_254, %mul3A_253 : vector<16xf32>
        %add3A_256 = arith.addf %scan3A_234, %mul3A_255 : vector<16xf32>
        %mul3A_257 = arith.constant 16 : i32
        %mul3A_258 = arith.muli %scan3A_233, %mul3A_257 : i32
        %add3A_259 = arith.constant 1 : i32
        %add3A_260 = arith.addi %mul3A_258, %add3A_259 : i32
        %slice3A_261 = vector.extract_strided_slice %get3A_240 {offsets = [1], sizes = [1], strides = [1]} : vector<16xf32> to vector<1xf32>
        %squeeze3A_262 = vector.extract %slice3A_261[0] : f32 from vector<1xf32>
        %get3A_263 = arith.index_cast %add3A_260 : i32 to index
        %get3A_264 = arith.constant 0 : index
        %get3A_265 = tpu.vector_load %arg15[%get3A_263, %get3A_264] {strides = array<i32>} : memref<400x16xf32, #tpu.memory_space<vmem>>, vector<1x16xf32>,
        %get3A_266 = vector.shape_cast %get3A_265 : vector<1x16xf32> to vector<16xf32>
        %get3A_267 = arith.index_cast %add3A_260 : i32 to index
        %get3A_268 = arith.constant 0 : index
        %get3A_269 = tpu.vector_load %arg17[%get3A_267, %get3A_268] {strides = array<i32>} : memref<400x16xf32, #tpu.memory_space<vmem>>, vector<1x16xf32>,
        %get3A_270 = vector.shape_cast %get3A_269 : vector<1x16xf32> to vector<16xf32>
        %mul3A_271 = arith.mulf %get3A_266, %get3A_270 : vector<16xf32>
        %mul3A_272 = vector.broadcast %squeeze3A_262 : f32 to vector<16xf32>
        %mul3A_273 = arith.mulf %mul3A_272, %mul3A_271 : vector<16xf32>
        %add3A_274 = arith.addf %add3A_256, %mul3A_273 : vector<16xf32>
        %mul3A_275 = arith.constant 16 : i32
        %mul3A_276 = arith.muli %scan3A_233, %mul3A_275 : i32
        %add3A_277 = arith.constant 2 : i32
        %add3A_278 = arith.addi %mul3A_276, %add3A_277 : i32
        %slice3A_279 = vector.extract_strided_slice %get3A_240 {offsets = [2], sizes = [1], strides = [1]} : vector<16xf32> to vector<1xf32>
        %squeeze3A_280 = vector.extract %slice3A_279[0] : f32 from vector<1xf32>
        %get3A_281 = arith.index_cast %add3A_278 : i32 to index
        %get3A_282 = arith.constant 0 : index
        %get3A_283 = tpu.vector_load %arg15[%get3A_281, %get3A_282] {strides = array<i32>} : memref<400x16xf32, #tpu.memory_space<vmem>>, vector<1x16xf32>,
        %get3A_284 = vector.shape_cast %get3A_283 : vector<1x16xf32> to vector<16xf32>
        %get3A_285 = arith.index_cast %add3A_278 : i32 to index
        %get3A_286 = arith.constant 0 : index
        %get3A_287 = tpu.vector_load %arg17[%get3A_285, %get3A_286] {strides = array<i32>} : memref<400x16xf32, #tpu.memory_space<vmem>>, vector<1x16xf32>,
        %get3A_288 = vector.shape_cast %get3A_287 : vector<1x16xf32> to vector<16xf32>
        %mul3A_289 = arith.mulf %get3A_284, %get3A_288 : vector<16xf32>
        %mul3A_290 = vector.broadcast %squeeze3A_280 : f32 to vector<16xf32>
        %mul3A_291 = arith.mulf %mul3A_290, %mul3A_289 : vector<16xf32>
        %add3A_292 = arith.addf %add3A_274, %mul3A_291 : vector<16xf32>
        %mul3A_293 = arith.constant 16 : i32
        %mul3A_294 = arith.muli %scan3A_233, %mul3A_293 : i32
        %add3A_295 = arith.constant 3 : i32
        %add3A_296 = arith.addi %mul3A_294, %add3A_295 : i32
        %slice3A_297 = vector.extract_strided_slice %get3A_240 {offsets = [3], sizes = [1], strides = [1]} : vector<16xf32> to vector<1xf32>
        %squeeze3A_298 = vector.extract %slice3A_297[0] : f32 from vector<1xf32>
        %get3A_299 = arith.index_cast %add3A_296 : i32 to index
        %get3A_300 = arith.constant 0 : index
        %get3A_301 = tpu.vector_load %arg15[%get3A_299, %get3A_300] {strides = array<i32>} : memref<400x16xf32, #tpu.memory_space<vmem>>, vector<1x16xf32>,
        %get3A_302 = vector.shape_cast %get3A_301 : vector<1x16xf32> to vector<16xf32>
        %get3A_303 = arith.index_cast %add3A_296 : i32 to index
        %get3A_304 = arith.constant 0 : index
        %get3A_305 = tpu.vector_load %arg17[%get3A_303, %get3A_304] {strides = array<i32>} : memref<400x16xf32, #tpu.memory_space<vmem>>, vector<1x16xf32>,
        %get3A_306 = vector.shape_cast %get3A_305 : vector<1x16xf32> to vector<16xf32>
        %mul3A_307 = arith.mulf %get3A_302, %get3A_306 : vector<16xf32>
        %mul3A_308 = vector.broadcast %squeeze3A_298 : f32 to vector<16xf32>
        %mul3A_309 = arith.mulf %mul3A_308, %mul3A_307 : vector<16xf32>
        %add3A_310 = arith.addf %add3A_292, %mul3A_309 : vector<16xf32>
        %mul3A_311 = arith.constant 16 : i32
        %mul3A_312 = arith.muli %scan3A_233, %mul3A_311 : i32
        %add3A_313 = arith.constant 4 : i32
        %add3A_314 = arith.addi %mul3A_312, %add3A_313 : i32
        %slice3A_315 = vector.extract_strided_slice %get3A_240 {offsets = [4], sizes = [1], strides = [1]} : vector<16xf32> to vector<1xf32>
        %squeeze3A_316 = vector.extract %slice3A_315[0] : f32 from vector<1xf32>
        %get3A_317 = arith.index_cast %add3A_314 : i32 to index
        %get3A_318 = arith.constant 0 : index
        %get3A_319 = tpu.vector_load %arg15[%get3A_317, %get3A_318] {strides = array<i32>} : memref<400x16xf32, #tpu.memory_space<vmem>>, vector<1x16xf32>,
        %get3A_320 = vector.shape_cast %get3A_319 : vector<1x16xf32> to vector<16xf32>
        %get3A_321 = arith.index_cast %add3A_314 : i32 to index
        %get3A_322 = arith.constant 0 : index
        %get3A_323 = tpu.vector_load %arg17[%get3A_321, %get3A_322] {strides = array<i32>} : memref<400x16xf32, #tpu.memory_space<vmem>>, vector<1x16xf32>,
        %get3A_324 = vector.shape_cast %get3A_323 : vector<1x16xf32> to vector<16xf32>
        %mul3A_325 = arith.mulf %get3A_320, %get3A_324 : vector<16xf32>
        %mul3A_326 = vector.broadcast %squeeze3A_316 : f32 to vector<16xf32>
        %mul3A_327 = arith.mulf %mul3A_326, %mul3A_325 : vector<16xf32>
        %add3A_328 = arith.addf %add3A_310, %mul3A_327 : vector<16xf32>
        %mul3A_329 = arith.constant 16 : i32
        %mul3A_330 = arith.muli %scan3A_233, %mul3A_329 : i32
        %add3A_331 = arith.constant 5 : i32
        %add3A_332 = arith.addi %mul3A_330, %add3A_331 : i32
        %slice3A_333 = vector.extract_strided_slice %get3A_240 {offsets = [5], sizes = [1], strides = [1]} : vector<16xf32> to vector<1xf32>
        %squeeze3A_334 = vector.extract %slice3A_333[0] : f32 from vector<1xf32>
        %get3A_335 = arith.index_cast %add3A_332 : i32 to index
        %get3A_336 = arith.constant 0 : index
        %get3A_337 = tpu.vector_load %arg15[%get3A_335, %get3A_336] {strides = array<i32>} : memref<400x16xf32, #tpu.memory_space<vmem>>, vector<1x16xf32>,
        %get3A_338 = vector.shape_cast %get3A_337 : vector<1x16xf32> to vector<16xf32>
        %get3A_339 = arith.index_cast %add3A_332 : i32 to index
        %get3A_340 = arith.constant 0 : index
        %get3A_341 = tpu.vector_load %arg17[%get3A_339, %get3A_340] {strides = array<i32>} : memref<400x16xf32, #tpu.memory_space<vmem>>, vector<1x16xf32>,
        %get3A_342 = vector.shape_cast %get3A_341 : vector<1x16xf32> to vector<16xf32>
        %mul3A_343 = arith.mulf %get3A_338, %get3A_342 : vector<16xf32>
        %mul3A_344 = vector.broadcast %squeeze3A_334 : f32 to vector<16xf32>
        %mul3A_345 = arith.mulf %mul3A_344, %mul3A_343 : vector<16xf32>
        %add3A_346 = arith.addf %add3A_328, %mul3A_345 : vector<16xf32>
        %mul3A_347 = arith.constant 16 : i32
        %mul3A_348 = arith.muli %scan3A_233, %mul3A_347 : i32
        %add3A_349 = arith.constant 6 : i32
        %add3A_350 = arith.addi %mul3A_348, %add3A_349 : i32
        %slice3A_351 = vector.extract_strided_slice %get3A_240 {offsets = [6], sizes = [1], strides = [1]} : vector<16xf32> to vector<1xf32>
        %squeeze3A_352 = vector.extract %slice3A_351[0] : f32 from vector<1xf32>
        %get3A_353 = arith.index_cast %add3A_350 : i32 to index
        %get3A_354 = arith.constant 0 : index
        %get3A_355 = tpu.vector_load %arg15[%get3A_353, %get3A_354] {strides = array<i32>} : memref<400x16xf32, #tpu.memory_space<vmem>>, vector<1x16xf32>,
        %get3A_356 = vector.shape_cast %get3A_355 : vector<1x16xf32> to vector<16xf32>
        %get3A_357 = arith.index_cast %add3A_350 : i32 to index
        %get3A_358 = arith.constant 0 : index
        %get3A_359 = tpu.vector_load %arg17[%get3A_357, %get3A_358] {strides = array<i32>} : memref<400x16xf32, #tpu.memory_space<vmem>>, vector<1x16xf32>,
        %get3A_360 = vector.shape_cast %get3A_359 : vector<1x16xf32> to vector<16xf32>
        %mul3A_361 = arith.mulf %get3A_356, %get3A_360 : vector<16xf32>
        %mul3A_362 = vector.broadcast %squeeze3A_352 : f32 to vector<16xf32>
        %mul3A_363 = arith.mulf %mul3A_362, %mul3A_361 : vector<16xf32>
        %add3A_364 = arith.addf %add3A_346, %mul3A_363 : vector<16xf32>
        %mul3A_365 = arith.constant 16 : i32
        %mul3A_366 = arith.muli %scan3A_233, %mul3A_365 : i32
        %add3A_367 = arith.constant 7 : i32
        %add3A_368 = arith.addi %mul3A_366, %add3A_367 : i32
        %slice3A_369 = vector.extract_strided_slice %get3A_240 {offsets = [7], sizes = [1], strides = [1]} : vector<16xf32> to vector<1xf32>
        %squeeze3A_370 = vector.extract %slice3A_369[0] : f32 from vector<1xf32>
        %get3A_371 = arith.index_cast %add3A_368 : i32 to index
        %get3A_372 = arith.constant 0 : index
        %get3A_373 = tpu.vector_load %arg15[%get3A_371, %get3A_372] {strides = array<i32>} : memref<400x16xf32, #tpu.memory_space<vmem>>, vector<1x16xf32>,
        %get3A_374 = vector.shape_cast %get3A_373 : vector<1x16xf32> to vector<16xf32>
        %get3A_375 = arith.index_cast %add3A_368 : i32 to index
        %get3A_376 = arith.constant 0 : index
        %get3A_377 = tpu.vector_load %arg17[%get3A_375, %get3A_376] {strides = array<i32>} : memref<400x16xf32, #tpu.memory_space<vmem>>, vector<1x16xf32>,
        %get3A_378 = vector.shape_cast %get3A_377 : vector<1x16xf32> to vector<16xf32>
        %mul3A_379 = arith.mulf %get3A_374, %get3A_378 : vector<16xf32>
        %mul3A_380 = vector.broadcast %squeeze3A_370 : f32 to vector<16xf32>
        %mul3A_381 = arith.mulf %mul3A_380, %mul3A_379 : vector<16xf32>
        %add3A_382 = arith.addf %add3A_364, %mul3A_381 : vector<16xf32>
        %mul3A_383 = arith.constant 16 : i32
        %mul3A_384 = arith.muli %scan3A_233, %mul3A_383 : i32
        %add3A_385 = arith.constant 8 : i32
        %add3A_386 = arith.addi %mul3A_384, %add3A_385 : i32
        %slice3A_387 = vector.extract_strided_slice %get3A_240 {offsets = [8], sizes = [1], strides = [1]} : vector<16xf32> to vector<1xf32>
        %squeeze3A_388 = vector.extract %slice3A_387[0] : f32 from vector<1xf32>
        %get3A_389 = arith.index_cast %add3A_386 : i32 to index
        %get3A_390 = arith.constant 0 : index
        %get3A_391 = tpu.vector_load %arg15[%get3A_389, %get3A_390] {strides = array<i32>} : memref<400x16xf32, #tpu.memory_space<vmem>>, vector<1x16xf32>,
        %get3A_392 = vector.shape_cast %get3A_391 : vector<1x16xf32> to vector<16xf32>
        %get3A_393 = arith.index_cast %add3A_386 : i32 to index
        %get3A_394 = arith.constant 0 : index
        %get3A_395 = tpu.vector_load %arg17[%get3A_393, %get3A_394] {strides = array<i32>} : memref<400x16xf32, #tpu.memory_space<vmem>>, vector<1x16xf32>,
        %get3A_396 = vector.shape_cast %get3A_395 : vector<1x16xf32> to vector<16xf32>
        %mul3A_397 = arith.mulf %get3A_392, %get3A_396 : vector<16xf32>
        %mul3A_398 = vector.broadcast %squeeze3A_388 : f32 to vector<16xf32>
        %mul3A_399 = arith.mulf %mul3A_398, %mul3A_397 : vector<16xf32>
        %add3A_400 = arith.addf %add3A_382, %mul3A_399 : vector<16xf32>
        %mul3A_401 = arith.constant 16 : i32
        %mul3A_402 = arith.muli %scan3A_233, %mul3A_401 : i32
        %add3A_403 = arith.constant 9 : i32
        %add3A_404 = arith.addi %mul3A_402, %add3A_403 : i32
        %slice3A_405 = vector.extract_strided_slice %get3A_240 {offsets = [9], sizes = [1], strides = [1]} : vector<16xf32> to vector<1xf32>
        %squeeze3A_406 = vector.extract %slice3A_405[0] : f32 from vector<1xf32>
        %get3A_407 = arith.index_cast %add3A_404 : i32 to index
        %get3A_408 = arith.constant 0 : index
        %get3A_409 = tpu.vector_load %arg15[%get3A_407, %get3A_408] {strides = array<i32>} : memref<400x16xf32, #tpu.memory_space<vmem>>, vector<1x16xf32>,
        %get3A_410 = vector.shape_cast %get3A_409 : vector<1x16xf32> to vector<16xf32>
        %get3A_411 = arith.index_cast %add3A_404 : i32 to index
        %get3A_412 = arith.constant 0 : index
        %get3A_413 = tpu.vector_load %arg17[%get3A_411, %get3A_412] {strides = array<i32>} : memref<400x16xf32, #tpu.memory_space<vmem>>, vector<1x16xf32>,
        %get3A_414 = vector.shape_cast %get3A_413 : vector<1x16xf32> to vector<16xf32>
        %mul3A_415 = arith.mulf %get3A_410, %get3A_414 : vector<16xf32>
        %mul3A_416 = vector.broadcast %squeeze3A_406 : f32 to vector<16xf32>
        %mul3A_417 = arith.mulf %mul3A_416, %mul3A_415 : vector<16xf32>
        %add3A_418 = arith.addf %add3A_400, %mul3A_417 : vector<16xf32>
        %mul3A_419 = arith.constant 16 : i32
        %mul3A_420 = arith.muli %scan3A_233, %mul3A_419 : i32
        %add3A_421 = arith.constant 10 : i32
        %add3A_422 = arith.addi %mul3A_420, %add3A_421 : i32
        %slice3A_423 = vector.extract_strided_slice %get3A_240 {offsets = [10], sizes = [1], strides = [1]} : vector<16xf32> to vector<1xf32>
        %squeeze3A_424 = vector.extract %slice3A_423[0] : f32 from vector<1xf32>
        %get3A_425 = arith.index_cast %add3A_422 : i32 to index
        %get3A_426 = arith.constant 0 : index
        %get3A_427 = tpu.vector_load %arg15[%get3A_425, %get3A_426] {strides = array<i32>} : memref<400x16xf32, #tpu.memory_space<vmem>>, vector<1x16xf32>,
        %get3A_428 = vector.shape_cast %get3A_427 : vector<1x16xf32> to vector<16xf32>
        %get3A_429 = arith.index_cast %add3A_422 : i32 to index
        %get3A_430 = arith.constant 0 : index
        %get3A_431 = tpu.vector_load %arg17[%get3A_429, %get3A_430] {strides = array<i32>} : memref<400x16xf32, #tpu.memory_space<vmem>>, vector<1x16xf32>,
        %get3A_432 = vector.shape_cast %get3A_431 : vector<1x16xf32> to vector<16xf32>
        %mul3A_433 = arith.mulf %get3A_428, %get3A_432 : vector<16xf32>
        %mul3A_434 = vector.broadcast %squeeze3A_424 : f32 to vector<16xf32>
        %mul3A_435 = arith.mulf %mul3A_434, %mul3A_433 : vector<16xf32>
        %add3A_436 = arith.addf %add3A_418, %mul3A_435 : vector<16xf32>
        %mul3A_437 = arith.constant 16 : i32
        %mul3A_438 = arith.muli %scan3A_233, %mul3A_437 : i32
        %add3A_439 = arith.constant 11 : i32
        %add3A_440 = arith.addi %mul3A_438, %add3A_439 : i32
        %slice3A_441 = vector.extract_strided_slice %get3A_240 {offsets = [11], sizes = [1], strides = [1]} : vector<16xf32> to vector<1xf32>
        %squeeze3A_442 = vector.extract %slice3A_441[0] : f32 from vector<1xf32>
        %get3A_443 = arith.index_cast %add3A_440 : i32 to index
        %get3A_444 = arith.constant 0 : index
        %get3A_445 = tpu.vector_load %arg15[%get3A_443, %get3A_444] {strides = array<i32>} : memref<400x16xf32, #tpu.memory_space<vmem>>, vector<1x16xf32>,
        %get3A_446 = vector.shape_cast %get3A_445 : vector<1x16xf32> to vector<16xf32>
        %get3A_447 = arith.index_cast %add3A_440 : i32 to index
        %get3A_448 = arith.constant 0 : index
        %get3A_449 = tpu.vector_load %arg17[%get3A_447, %get3A_448] {strides = array<i32>} : memref<400x16xf32, #tpu.memory_space<vmem>>, vector<1x16xf32>,
        %get3A_450 = vector.shape_cast %get3A_449 : vector<1x16xf32> to vector<16xf32>
        %mul3A_451 = arith.mulf %get3A_446, %get3A_450 : vector<16xf32>
        %mul3A_452 = vector.broadcast %squeeze3A_442 : f32 to vector<16xf32>
        %mul3A_453 = arith.mulf %mul3A_452, %mul3A_451 : vector<16xf32>
        %add3A_454 = arith.addf %add3A_436, %mul3A_453 : vector<16xf32>
        %mul3A_455 = arith.constant 16 : i32
        %mul3A_456 = arith.muli %scan3A_233, %mul3A_455 : i32
        %add3A_457 = arith.constant 12 : i32
        %add3A_458 = arith.addi %mul3A_456, %add3A_457 : i32
        %slice3A_459 = vector.extract_strided_slice %get3A_240 {offsets = [12], sizes = [1], strides = [1]} : vector<16xf32> to vector<1xf32>
        %squeeze3A_460 = vector.extract %slice3A_459[0] : f32 from vector<1xf32>
        %get3A_461 = arith.index_cast %add3A_458 : i32 to index
        %get3A_462 = arith.constant 0 : index
        %get3A_463 = tpu.vector_load %arg15[%get3A_461, %get3A_462] {strides = array<i32>} : memref<400x16xf32, #tpu.memory_space<vmem>>, vector<1x16xf32>,
        %get3A_464 = vector.shape_cast %get3A_463 : vector<1x16xf32> to vector<16xf32>
        %get3A_465 = arith.index_cast %add3A_458 : i32 to index
        %get3A_466 = arith.constant 0 : index
        %get3A_467 = tpu.vector_load %arg17[%get3A_465, %get3A_466] {strides = array<i32>} : memref<400x16xf32, #tpu.memory_space<vmem>>, vector<1x16xf32>,
        %get3A_468 = vector.shape_cast %get3A_467 : vector<1x16xf32> to vector<16xf32>
        %mul3A_469 = arith.mulf %get3A_464, %get3A_468 : vector<16xf32>
        %mul3A_470 = vector.broadcast %squeeze3A_460 : f32 to vector<16xf32>
        %mul3A_471 = arith.mulf %mul3A_470, %mul3A_469 : vector<16xf32>
        %add3A_472 = arith.addf %add3A_454, %mul3A_471 : vector<16xf32>
        %mul3A_473 = arith.constant 16 : i32
        %mul3A_474 = arith.muli %scan3A_233, %mul3A_473 : i32
        %add3A_475 = arith.constant 13 : i32
        %add3A_476 = arith.addi %mul3A_474, %add3A_475 : i32
        %slice3A_477 = vector.extract_strided_slice %get3A_240 {offsets = [13], sizes = [1], strides = [1]} : vector<16xf32> to vector<1xf32>
        %squeeze3A_478 = vector.extract %slice3A_477[0] : f32 from vector<1xf32>
        %get3A_479 = arith.index_cast %add3A_476 : i32 to index
        %get3A_480 = arith.constant 0 : index
        %get3A_481 = tpu.vector_load %arg15[%get3A_479, %get3A_480] {strides = array<i32>} : memref<400x16xf32, #tpu.memory_space<vmem>>, vector<1x16xf32>,
        %get3A_482 = vector.shape_cast %get3A_481 : vector<1x16xf32> to vector<16xf32>
        %get3A_483 = arith.index_cast %add3A_476 : i32 to index
        %get3A_484 = arith.constant 0 : index
        %get3A_485 = tpu.vector_load %arg17[%get3A_483, %get3A_484] {strides = array<i32>} : memref<400x16xf32, #tpu.memory_space<vmem>>, vector<1x16xf32>,
        %get3A_486 = vector.shape_cast %get3A_485 : vector<1x16xf32> to vector<16xf32>
        %mul3A_487 = arith.mulf %get3A_482, %get3A_486 : vector<16xf32>
        %mul3A_488 = vector.broadcast %squeeze3A_478 : f32 to vector<16xf32>
        %mul3A_489 = arith.mulf %mul3A_488, %mul3A_487 : vector<16xf32>
        %add3A_490 = arith.addf %add3A_472, %mul3A_489 : vector<16xf32>
        %mul3A_491 = arith.constant 16 : i32
        %mul3A_492 = arith.muli %scan3A_233, %mul3A_491 : i32
        %add3A_493 = arith.constant 14 : i32
        %add3A_494 = arith.addi %mul3A_492, %add3A_493 : i32
        %slice3A_495 = vector.extract_strided_slice %get3A_240 {offsets = [14], sizes = [1], strides = [1]} : vector<16xf32> to vector<1xf32>
        %squeeze3A_496 = vector.extract %slice3A_495[0] : f32 from vector<1xf32>
        %get3A_497 = arith.index_cast %add3A_494 : i32 to index
        %get3A_498 = arith.constant 0 : index
        %get3A_499 = tpu.vector_load %arg15[%get3A_497, %get3A_498] {strides = array<i32>} : memref<400x16xf32, #tpu.memory_space<vmem>>, vector<1x16xf32>,
        %get3A_500 = vector.shape_cast %get3A_499 : vector<1x16xf32> to vector<16xf32>
        %get3A_501 = arith.index_cast %add3A_494 : i32 to index
        %get3A_502 = arith.constant 0 : index
        %get3A_503 = tpu.vector_load %arg17[%get3A_501, %get3A_502] {strides = array<i32>} : memref<400x16xf32, #tpu.memory_space<vmem>>, vector<1x16xf32>,
        %get3A_504 = vector.shape_cast %get3A_503 : vector<1x16xf32> to vector<16xf32>
        %mul3A_505 = arith.mulf %get3A_500, %get3A_504 : vector<16xf32>
        %mul3A_506 = vector.broadcast %squeeze3A_496 : f32 to vector<16xf32>
        %mul3A_507 = arith.mulf %mul3A_506, %mul3A_505 : vector<16xf32>
        %add3A_508 = arith.addf %add3A_490, %mul3A_507 : vector<16xf32>
        %mul3A_509 = arith.constant 16 : i32
        %mul3A_510 = arith.muli %scan3A_233, %mul3A_509 : i32
        %add3A_511 = arith.constant 15 : i32
        %add3A_512 = arith.addi %mul3A_510, %add3A_511 : i32
        %slice3A_513 = vector.extract_strided_slice %get3A_240 {offsets = [15], sizes = [1], strides = [1]} : vector<16xf32> to vector<1xf32>
        %squeeze3A_514 = vector.extract %slice3A_513[0] : f32 from vector<1xf32>
        %get3A_515 = arith.index_cast %add3A_512 : i32 to index
        %get3A_516 = arith.constant 0 : index
        %get3A_517 = tpu.vector_load %arg15[%get3A_515, %get3A_516] {strides = array<i32>} : memref<400x16xf32, #tpu.memory_space<vmem>>, vector<1x16xf32>,
        %get3A_518 = vector.shape_cast %get3A_517 : vector<1x16xf32> to vector<16xf32>
        %get3A_519 = arith.index_cast %add3A_512 : i32 to index
        %get3A_520 = arith.constant 0 : index
        %get3A_521 = tpu.vector_load %arg17[%get3A_519, %get3A_520] {strides = array<i32>} : memref<400x16xf32, #tpu.memory_space<vmem>>, vector<1x16xf32>,
        %get3A_522 = vector.shape_cast %get3A_521 : vector<1x16xf32> to vector<16xf32>
        %mul3A_523 = arith.mulf %get3A_518, %get3A_522 : vector<16xf32>
        %mul3A_524 = vector.broadcast %squeeze3A_514 : f32 to vector<16xf32>
        %mul3A_525 = arith.mulf %mul3A_524, %mul3A_523 : vector<16xf32>
        %add3A_526 = arith.addf %add3A_508, %mul3A_525 : vector<16xf32>
        scf.yield %add3A_526 : vector<16xf32>
      }
      %scan3A_225 = arith.constant 25 : i32
      %add3A_226 = arith.constant 3 : i32
      %add3A_227 = arith.addi %mul3A_121, %add3A_226 : i32
      %lt3A_228 = arith.constant 250 : i32
      %lt3A_229 = arith.cmpi slt, %add3A_227, %lt3A_228 : i32
      %convert_element_type3A_230 = arith.extui %lt3A_229 : i1 to i32
      %cond3A_231 = arith.constant 0 : i32
      %cond3A_232 = arith.cmpi ne, %convert_element_type3A_230, %cond3A_231 : i32
      scf.if %cond3A_232 {
        %add3A_233 = arith.constant 3 : i32
        %add3A_234 = arith.addi %mul3A_121, %add3A_233 : i32
        %mul3A_235 = arith.constant 250 : i32
        %mul3A_236 = arith.muli %add3A, %mul3A_235 : i32
        %add3A_237 = arith.addi %mul3A_236, %add3A_234 : i32
        %mul3A_238 = arith.constant 1 : i32
        %mul3A_239 = arith.muli %add3A_237, %mul3A_238 : i32
        %mul3A_240 = arith.constant 1 : i32
        %mul3A_241 = arith.muli %add3A_237, %mul3A_240 : i32
        %dma_start3A_242 = arith.constant 0 : i32
        %dma_start3A_243 = tpu.memref_slice %arg5[%mul3A_239, %dma_start3A_242] : memref<8000x400xi32, #tpu.memory_space<hbm>> -> memref<1x400xi32, #tpu.memory_space<hbm>>
        %dma_start3A_244 = arith.constant 0 : i32
        %dma_start3A_245 = tpu.memref_slice %arg5[%mul3A_239, %dma_start3A_244] : memref<8000x400xi32, #tpu.memory_space<hbm>> -> memref<1x400xi32, #tpu.memory_space<hbm>>
        tpu.enqueue_dma source(%dma_start3A_245 : memref<1x400xi32, #tpu.memory_space<hbm>>) target(%arg9 : memref<1x400xi32, #tpu.memory_space<vmem>>) target_semaphore(%arg21 : memref<!tpu.dma_semaphore, #tpu.memory_space<semaphore_mem>>)
        %dma_start3A_246 = arith.constant 0 : i32
        %dma_start3A_247 = tpu.memref_slice %arg6[%mul3A_241, %dma_start3A_246] : memref<8000x400xi32, #tpu.memory_space<hbm>> -> memref<1x400xi32, #tpu.memory_space<hbm>>
        %dma_start3A_248 = arith.constant 0 : i32
        %dma_start3A_249 = tpu.memref_slice %arg6[%mul3A_241, %dma_start3A_248] : memref<8000x400xi32, #tpu.memory_space<hbm>> -> memref<1x400xi32, #tpu.memory_space<hbm>>
        tpu.enqueue_dma source(%dma_start3A_249 : memref<1x400xi32, #tpu.memory_space<hbm>>) target(%arg11 : memref<1x400xi32, #tpu.memory_space<vmem>>) target_semaphore(%arg21 : memref<!tpu.dma_semaphore, #tpu.memory_space<semaphore_mem>>)
        %dma_start3A_250 = arith.constant 0 : i32
        %dma_start3A_251 = tpu.memref_slice %arg4[%add3A_237, %dma_start3A_250] : memref<8000x400xf32, #tpu.memory_space<hbm>> -> memref<1x400xf32, #tpu.memory_space<hbm>>
        %dma_start3A_252 = arith.constant 0 : i32
        %dma_start3A_253 = tpu.memref_slice %arg4[%add3A_237, %dma_start3A_252] : memref<8000x400xf32, #tpu.memory_space<hbm>> -> memref<1x400xf32, #tpu.memory_space<hbm>>
        tpu.enqueue_dma source(%dma_start3A_253 : memref<1x400xf32, #tpu.memory_space<hbm>>) target(%arg13 : memref<1x400xf32, #tpu.memory_space<vmem>>) target_semaphore(%arg21 : memref<!tpu.dma_semaphore, #tpu.memory_space<semaphore_mem>>)
      } else {
      }
      scf.yield %scan3A_224 : vector<16xf32>
    }
    %scan3A_102 = arith.constant 125 : i32
    %swap3A = arith.constant 0 : index
    %swap3A_103 = tpu.vector_load %arg18[%swap3A] {strides = array<i32>} : memref<16xf32, #tpu.memory_space<vmem>>, vector<16xf32>,
    %swap3A_104 = vector.shape_cast %swap3A_103 : vector<16xf32> to vector<16xf32>
    %swap3A_105 = vector.shape_cast %scan3A_101 : vector<16xf32> to vector<16xf32>
    tpu.vector_store %arg18[%swap3A], %swap3A_105 {strides = array<i32>} : memref<16xf32, #tpu.memory_space<vmem>>, vector<16xf32>,
    %dma_start3A_106 = arith.constant 0 : i32
    %dma_start3A_107 = tpu.memref_slice %arg7[%add3A, %dma_start3A_106] : memref<32x16xf32, #tpu.memory_space<hbm>> -> memref<1x16xf32, #tpu.memory_space<hbm>>
    %dma_start3A_108 = tpu.memref_squeeze %dma_start3A_107 : memref<1x16xf32, #tpu.memory_space<hbm>> -> memref<16xf32, #tpu.memory_space<hbm>>
    %dma_start3A_109 = arith.constant 0 : i32
    %dma_start3A_110 = tpu.memref_slice %arg7[%add3A, %dma_start3A_109] : memref<32x16xf32, #tpu.memory_space<hbm>> -> memref<1x16xf32, #tpu.memory_space<hbm>>
    %dma_start3A_111 = tpu.memref_squeeze %dma_start3A_110 : memref<1x16xf32, #tpu.memory_space<hbm>> -> memref<16xf32, #tpu.memory_space<hbm>>
    tpu.enqueue_dma source(%arg18 : memref<16xf32, #tpu.memory_space<vmem>>) target(%dma_start3A_111 : memref<16xf32, #tpu.memory_space<hbm>>) target_semaphore(%arg24 : memref<!tpu.dma_semaphore, #tpu.memory_space<semaphore_mem>>)
    %dma_wait3A_112 = arith.constant 0 : i32
    %dma_wait3A_113 = tpu.memref_slice %arg7[%add3A, %dma_wait3A_112] : memref<32x16xf32, #tpu.memory_space<hbm>> -> memref<1x16xf32, #tpu.memory_space<hbm>>
    %dma_wait3A_114 = tpu.memref_squeeze %dma_wait3A_113 : memref<1x16xf32, #tpu.memory_space<hbm>> -> memref<16xf32, #tpu.memory_space<hbm>>
    %dma_wait3A_115 = arith.constant 0 : i32
    %dma_wait3A_116 = tpu.memref_slice %arg7[%add3A, %dma_wait3A_115] : memref<32x16xf32, #tpu.memory_space<hbm>> -> memref<1x16xf32, #tpu.memory_space<hbm>>
    %dma_wait3A_117 = tpu.memref_squeeze %dma_wait3A_116 : memref<1x16xf32, #tpu.memory_space<hbm>> -> memref<16xf32, #tpu.memory_space<hbm>>
    tpu.wait_dma2 semaphore(%arg24 : memref<!tpu.dma_semaphore, #tpu.memory_space<semaphore_mem>>) src(%arg18 : memref<16xf32, #tpu.memory_space<vmem>>) dst(%dma_wait3A_117 : memref<16xf32, #tpu.memory_space<hbm>>)
    return
  }
}

</mosaic_0001>

<sc_bundles>
// kernel: _run.3.cloned.1.call-start
scs
__scs_entry_jumppad:
0x0: {  	(pc) =	sbr.rel $0x88, $3  }
0x1: {  	(tag) =	ssettag $0x0;
	lr =	simm.s32 $0x1  }
0x2: {  	[smem:$0x3F9C] =	sst lr;
	_ =	strace $0xD0000000  }
0x3: {  	_ = 	snop  }
0x4: {  	_ = 	snop  }
0x5: {  	_ = 	snop  }
0x6: {  	_ = 	snop  }
0x7: {  	_ = 	snop  }
__scs_overlays_trampoline_lowered:
0x8: {  	[smem:$0x3FAB] =	sst s0  }
0x9: {  	[smem:$0x3FAC] =	sst s1  }
0xa: {  	[smem:$0x3FAD] =	sst s2  }
0xb: {  	[smem:$0x3FAE] =	sst s3  }
0xc: {  	[smem:$0x3FAF] =	sst s4  }
0xd: {  	[smem:$0x3FB0] =	sst s5  }
0xe: {  	[smem:$0x3FB1] =	sst s6  }
0xf: {  	[smem:$0x3FB2] =	sst s7  }
0x10: {  	[smem:$0x3FB3] =	sst s8  }
0x11: {  	[smem:$0x3FB4] =	sst s9;
	s0 =	simm.s32 @!p0 $0x0  }
0x12: {  	s1 =	sld [smem:$0x3F9A];
	s0 =	simm.s32 @p0 $0x1  }
0x13: {  	[smem:$0x3FB5] =	sst s0;
	s0 =	simm.s32 @!p1 $0x0  }
0x14: {  	s2 =	sld [smem:$0x3F99];
	s0 =	simm.s32 @p1 $0x1  }
0x15: {  	[smem:$0x3FB6] =	sst s0;
	s0 =	simm.s32 @!p2 $0x0  }
0x16: {  	s3 =	sld [smem:$0x3FDB];
	s0 =	simm.s32 @p2 $0x1  }
0x17: {  	s4 =	simm.s32 $0x1BF5;
	[smem:$0x3FB8] =	sst s0  }
0x18: {  	s0 =	sld [smem:$0x3F9B];
	_ =	swait.ge [sflag:s4], $0x0  }
0x19: {  	s7 =	sld [smem:$0x3F9C]  }
0x1a: {  	s8 =	sadd.s32 $0xFFFFE003, lr  }
0x1b: {  	s9 =	sadd.s32 $0xFFFFFEF7, lr;
	s5 =	simm.s32 $0xFFFFFFFF;
	p2 =	slt.u32 s8, $0xFFFFF086  }
0x1c: {  	p1 =	slt.u32 s9, $0xF7A;
	s5 =	simm.s32 @!p2 $0x0  }
0x1d: {  	s5 =	simm.s32 @p1 $0x1;
	p0 =	seq.s32 s7, s2  }
0x1e: {  	s7 =	smul.u32 @!p0 $0xF7A, s2;
	p2 =	seq.s32 @!p0 s5, $0x0  }
0x1f: {  	s9 =	smul.u32 $0xF7A, s1;
	s8 =	simm.s32 @!p0 $0x1BF5;
	p2 =	por !p2, p0  }
0x20: {  	[sflag:s8] =	ssyncset.s32 @!p0 $0xFFFFF086;
	s6 =	sadd.s32 @!p0 s3, s7;
	s7 =	simm.s32 @!p0 $0x108  }
0x21: {  	s3 =	sadd.s32 s3, s9;
	s6 =	sadd.s32 @!p0 $0x88, s6;
	s7 =	simm.s32 @p2 $0x1082  }
0x22: {  	[simem:s7], [sflag:s8] =	dma.local @!p0 [hbm:s6], $0xF7A  }
0x23: {  	s9 =	sor.u32 $0xD0000000, s2;
	s6 =	simm.s32 $0x108;
	_ =	swait.ge @!p0 [sflag:s8], $0x0  }
0x24: {  	s3 =	sadd.s32 $0x88, s3;
	s6 =	simm.s32 @!p1 $0x1082;
	[sflag:s4] =	ssyncset.s32 $0xFFFFF086  }
0x25: {  	[simem:s6], [sflag:s4] =	dma.local [hbm:s3], $0xF7A  }
0x26: {  	[smem:$0x3F9C] =	sst s1;
	(tag) =	ssettag s2;
	_ =	strace s9  }
0x27: {  	s1 =	sld [smem:$0x3FAC]  }
0x28: {  	s2 =	sld [smem:$0x3FAD]  }
0x29: {  	s4 =	sld [smem:$0x3FAF]  }
0x2a: {  	p0 =	seq.s32 s5, $0x0;
	s5 =	sld [smem:$0x3FB0]  }
0x2b: {  	s6 =	sld [smem:$0x3FB1]  }
0x2c: {  	s7 =	sld [smem:$0x3FB2]  }
0x2d: {  	s3 =	simm.s32 $0x108;
	s8 =	sld [smem:$0x3FB3]  }
0x2e: {  	s3 =	simm.s32 @!p0 $0x1082;
	s9 =	sld [smem:$0x3FB4]  }
0x2f: {  	lr =	sadd.s32 s0, s3;
	s0 =	sld [smem:$0x3FAB]  }
0x30: {  	s3 =	sld [smem:$0x3FAE]  }
0x31: {  	[smem:$0x3FB7] =	sst s10  }
0x32: {  	s10 =	sld [smem:$0x3FB5];
	_ =	sdelay $0x3  }
0x33: {  	p0 =	seq.s32 s10, $0x1;
	s10 =	sld [smem:$0x3FB7];
	_ =	sdelay $0x3  }
0x34: {  	[smem:$0x3FB7] =	sst s10  }
0x35: {  	s10 =	sld [smem:$0x3FB6];
	_ =	sdelay $0x3  }
0x36: {  	p1 =	seq.s32 s10, $0x1;
	s10 =	sld [smem:$0x3FB7];
	_ =	sdelay $0x3  }
0x37: {  	[smem:$0x3FB7] =	sst s10  }
0x38: {  	s10 =	sld [smem:$0x3FB8]  }
0x39: {  	_ = 	snop;
	(pc) =	sbr.ind lr, $3  }
0x3a: {  	_ = 	snop  }
0x3b: {  	_ = 	snop  }
0x3c: {  	p2 =	seq.s32 s10, $0x1;
	s10 =	sld [smem:$0x3FB7]  }
0x3d: {  	_ =	shalt  }
0x3e: {  	_ =	shalt  }
0x3f: {  	_ =	shalt  }
0x40: {  	_ =	shalt  }
0x41: {  	_ =	shalt  }
0x42: {  	_ =	shalt  }
0x43: {  	_ =	shalt  }
0x44: {  	_ =	shalt  }
0x45: {  	_ =	shalt  }
0x46: {  	_ =	shalt  }
0x47: {  	_ =	shalt  }
0x48: {  	_ =	shalt  }
0x49: {  	_ =	shalt  }
0x4a: {  	_ =	shalt  }
0x4b: {  	_ =	shalt  }
0x4c: {  	_ =	shalt  }
0x4d: {  	_ =	shalt  }
0x4e: {  	_ =	shalt  }
0x4f: {  	_ =	shalt  }
0x50: {  	_ =	shalt  }
0x51: {  	_ =	shalt  }
0x52: {  	_ =	shalt  }
0x53: {  	_ =	shalt  }
0x54: {  	_ =	shalt  }
0x55: {  	_ =	shalt  }
0x56: {  	_ =	shalt  }
0x57: {  	_ =	shalt  }
0x58: {  	_ =	shalt  }
0x59: {  	_ =	shalt  }
0x5a: {  	_ =	shalt  }
0x5b: {  	_ =	shalt  }
0x5c: {  	_ =	shalt  }
0x5d: {  	_ =	shalt  }
0x5e: {  	_ =	shalt  }
0x5f: {  	_ =	shalt  }
0x60: {  	_ =	shalt  }
0x61: {  	_ =	shalt  }
0x62: {  	_ =	shalt  }
0x63: {  	_ =	shalt  }
0x64: {  	_ =	shalt  }
0x65: {  	_ =	shalt  }
0x66: {  	_ =	shalt  }
0x67: {  	_ =	shalt  }
0x68: {  	_ =	shalt  }
0x69: {  	_ =	shalt  }
0x6a: {  	_ =	shalt  }
0x6b: {  	_ =	shalt  }
0x6c: {  	_ =	shalt  }
0x6d: {  	_ =	shalt  }
0x6e: {  	_ =	shalt  }
0x6f: {  	_ =	shalt  }
0x70: {  	_ =	shalt  }
0x71: {  	_ =	shalt  }
0x72: {  	_ =	shalt  }
0x73: {  	_ =	shalt  }
0x74: {  	_ =	shalt  }
0x75: {  	_ =	shalt  }
0x76: {  	_ =	shalt  }
0x77: {  	_ =	shalt  }
0x78: {  	_ =	shalt  }
0x79: {  	_ =	shalt  }
0x7a: {  	_ =	shalt  }
0x7b: {  	_ =	shalt  }
0x7c: {  	_ =	shalt  }
0x7d: {  	_ =	shalt  }
0x7e: {  	_ =	shalt  }
0x7f: {  	_ =	shalt  }
0x80: {  	_ =	shalt  }
0x81: {  	_ =	shalt  }
0x82: {  	_ =	shalt  }
0x83: {  	_ =	shalt  }
0x84: {  	_ =	shalt  }
0x85: {  	_ =	shalt  }
0x86: {  	_ =	shalt  }
0x87: {  	_ =	shalt  }
.Lfunc_end0:
.L_simem_size_0:
called_computation_lowered:
.L_overlay_start_0:
0x88: {  	s2 =	sld [smem:$0x3FD9]  }
0x89: {  	s3 =	sld [smem:$0x3FFE];
	_ =	sdelay $0x1  }
0x8a: {  	s1 =	srdreg.scid  }
0x8b: {  	s0 =	sand.u32 $0x1, s1  }
0x8c: {  	s16 =	sshll.u32 s0, $0xA;
	s2 =	sadd.s32 s3, s2  }
0x8d: {  	s2 =	sadd.s32 s2, s16  }
0x8e: {  	[smem:$0x3FC3] =	sst s2  }
0x8f: {  	_ = 	snop  }
0x90: {  	(tm) =	ssettm $0x1  }
0x91: {  	s17 =	sld [smem:$0x3FFB];
	_ =	sdelay $0x3  }
0x92: {  	_ =	strace s17  }
0x93: {  	s2 =	sld [smem:$0x3FFC];
	_ =	sdelay $0x3  }
0x94: {  	_ =	strace s2  }
0x95: {  	s2 =	sld [smem:$0x3FFD];
	_ =	sdelay $0x3  }
0x96: {  	_ =	strace s2  }
0x97: {  	_ =	strace $0x8FFFFFFF  }
0x98: {  	s18 =	sld [smem:$0x3FDB];
	_ =	sdelay $0x1  }
0x99: {  	s19 =	simm.s32 $_scs_section_size  }
0x9a: {  	s4 =	simm.s32 $_size__tile_overlayer_lowered;
	s5 =	simm.s32 $_tile_overlayer_lowered  }
0x9b: {  	s22 =	simm.s32 $0x1BFF;
	s21 =	sshll.u32 s5, $0x1;
	s2 =	sadd.s32 s19, s18  }
0x9c: {  	s6 =	simm.s32 $0x0;
	s20 =	sshll.u32 s4, $0x1;
	s4 =	sadd.s32 s21, s2  }
0x9d: {  	[timem:s6], [sflag:s22] =	dma.local [hbm:s4], s20  }
0x9e: {  	_ =	swait.ge [sflag:s22], s20  }
0x9f: {  	s3 =	ssub.s32 $0x0, s20;
	[sflag:s22] =	ssyncset.done $0x0  }
0xa0: {  	[sflag:s22] =	ssyncadd.s32 s3;
	_ =	sdelay $0x1  }
0xa1: {  	s23 =	simm.s32 $0x1B8B  }
0xa2: {  	_ =	swait.ge [sflag:s23], $0x1  }
0xa3: {  	[sflag:s23] =	ssyncset.done $0x0  }
0xa4: {  	s25 =	simm.s32 $0x1B8E;
	s24 =	sld [smem:$0x3FFE];
	[sflag:s23] =	ssyncadd.s32 $0xFFFFFFFF  }
0xa5: {  	s26 =	simm.s32 $execute0_lowered;
	[smem:$0x3FD2] =	sst s25  }
0xa6: {  	s4 =	sshll.u32 s26, $0x1;
	_ =	strace $0x80000046;
	[dreg:$0x1] =	wrdreg $0xFFFFFFFF  }
0xa7: {  	s28 =	simm.s32 $_size_execute0_lowered;
	s2 =	sadd.s32 s2, s4;
	[dreg:$0x0] =	wrdreg $0x0  }
0xa8: {  	s4 =	sshll.u32 s28, $0x1;
	[dreg:$0x2] =	wrdreg s2  }
0xa9: {  	[dreg:$0x3] =	wrdreg s4  }
0xaa: {  	[dreg:$0x4] =	wrdreg $0xC0  }
0xab: {  	_ =	task [dreg:s6], $0x5FFFF  }
0xac: {  	[dreg:$0x1] =	wrdreg $0xFFFFFFFF  }
0xad: {  	[dreg:$0x0] =	wrdreg $0x60  }
0xae: {  	[dreg:$0x2] =	wrdreg s24  }
0xaf: {  	[dreg:$0x3] =	wrdreg $0x6D700  }
0xb0: {  	[dreg:$0x4] =	wrdreg $0x9  }
0xb1: {  	_ =	task.clear_ibuf [dreg:s6], $0x5FFFF;
	_ =	strace $0x90000046  }
0xb2: {  	s29 =	simm.s32 $0x9;
	_ =	strace $0x80000048  }
0xb3: {  	_ =	swait.ge [sflag:s29], $0x1  }
0xb4: {  	[sflag:s29] =	ssyncadd.s32 $0xFFFFFFFF  }
0xb5: {  	_ =	strace $0x90000048  }
0xb6: {  	_ =	sfence  }
0xb7: {  	s30 =	sld [smem:$0x0];
	_ =	sdelay $0x2  }
0xb8: {  	s31 =	sshll.u32 s1, $0xD;
	s1 =	sshrl.u32 s1, $0x2  }
0xb9: {  	s3 =	sand.u32 $0x4000, s31;
	s1 =	sadd.s32 s1, s30  }
0xba: {  	s0 =	sor.u32 s3, s0;
	s1 =	sshll.u32 s1, $0x11  }
0xbb: {  	s0 =	sor.u32 s1, s0  }
0xbc: {  	s0 =	sadd.s32 $0x8F2B, s0  }
0xbd: {  	[sflag:s0] =	ssyncadd.remote.s32 $0x1  }
0xbe: {  	_ =	sfence.sel $0xFFFF  }
0xbf: {  	[dreg:$0x0] =	wrdreg $0xFFFFFFFF;
	(pc) =	sbr.abs _section_cstart, $3  }
0xc0: {  	[dreg:$0x1] =	wrdreg $0xFFFFFFFF  }
0xc1: {  	_ =	task.clear_ibuf [dreg:s6], $0x2FFFF;
	_ =	strace $0x9FFFFFFF  }
0xc2: {  	(tm) =	ssettm $0x7FFFFFFF  }
0xc3: {  	_ =	shalt  }
tec
execute0_lowered:
.L_overlay_start_1:
0x0: {  	(tag) =	ssettag $0x1  }
0x1: {  	s0 =	rddreg [dreg:$0x0]  }
0x2: {  	s1 =	rddreg [dreg:$0x1];
	s2 =	simm.s32 $0x0;
	s3 =	srdreg.scid  }
0x3: {  	s14 =	stileid.u32;
	s28 =	simm.s32 $0x1;
	s29 =	simm.s32 $0x190  }
0x4: {  	s31 =	simm.s32 $0x4B0;
	s30 =	simm.s32 $0x2;
	s4 =	sadd.s32 $0x192200, s0  }
0x5: {  	[smem:$0x7FF] =	sst s2;
	s5 =	sadd.s32 $0x127600, s0;
	s6 =	sadd.s32 $0xC5A00, s0  }
0x6: {  	s7 =	sadd.s32 $0x63E00, s0;
	s3 =	sand.u32 $0x1, s3;
	s9 =	sshll.u32 s14, $0x1  }
0x7: {  	s8 =	sadd.s32 $0x2200, s0;
	s12 =	smul.u32 $0x186A0, s14;
	s19 =	sshll.u32 s14, $0x6  }
0x8: {  	_ =	strace $0x80000047;
	s10 =	sor.u32 s3, s9;
	s3 =	ssub.s32 $0x2, s3  }
0x9: {  	s9 =	sshll.u32 s10, $0x1;
	s11 =	sshrl.u32 s3, $0x1;
	s13 =	smul.u32 $0x186A0, s10  }
0xa: {  	s17 =	sadd.s32 s12, s1;
	s12 =	sshrl.u32 s12, $0x3;
	s20 =	smul.u32 $0x30D4, s10  }
0xb: {  	s0 =	sadd.s32 s9, s0;
	s3 =	ssub.s32 s3, s11;
	s9 =	smul.u32 $0xC80, s10  }
0xc: {  	s12 =	sadd.s32 s4, s12;
	s10 =	smul.u32 $0xFA, s10;
	s11 =	simm.s32 $0x5460  }
0xd: {  	[dreg:$0x3] =	wrdreg s12;
	s12 =	sor.u32 $0x1C05, s19;
	s21 =	sshrl.u32 s13, $0x3  }
0xe: {  	s22 =	sadd.s32 s7, s20;
	s23 =	sadd.s32 s8, s20;
	[dreg:$0x4] =	wrdreg s12  }
0xf: {  	s24 =	sadd.s32 s6, s20;
	s20 =	sadd.s32 $0x12A800, s0;
	[dreg:$0x5] =	wrdreg s22  }
0x10: {  	s0 =	simm.s32 $0x7D0;
	[dreg:$0x6] =	wrdreg s23;
	s12 =	sadd.s32 $0x32, s21  }
0x11: {  	[dreg:$0x7] =	wrdreg s24;
	s18 =	sadd.s32 $0x2, s10;
	s19 =	sadd.s32 $0x3, s10  }
.Ltmp0:
0x12: {  	s21 =	smax.u32 s3, $0x1;
	s22 =	sshrl.u32 s17, $0x3;
	(pc) =	sbr.rel .LBB2_1-.Ltmp0, $4  }
0x13: {  	s23 =	simm.s32 $0x5;
	s24 =	simm.s32 $0x960;
	s25 =	sadd.s32 s7, s12  }
0x14: {  	s3 =	simm.s32 $0x3;
	s26 =	sadd.s32 s8, s12;
	[dreg:$0x8] =	wrdreg s25  }
0x15: {  	s10 =	simm.s32 $0x2260;
	s12 =	sadd.s32 s6, s12;
	[dreg:$0x9] =	wrdreg s26  }
0x16: {  	[dreg:$0xa] =	wrdreg s12;
	s25 =	simm.s32 $0x640;
	s26 =	simm.s32 $0x0  }
.LBB2_12:
0x17: {  	s26 =	sadd.s32 $0x1, s26  }
0x18: {  	p0 =	sne.s32 s26, s21  }
.Ltmp1:
0x19: {  	[tilespmem:$0x6D60] =	vst v1;
	s12 =	simm.s32 $0x6D60;
	(pc) =	sbr.rel @!p0 .LBB2_13-.Ltmp1, $4  }
0x1a: {  	[hbm4b:s20+s2] =	stream.linear.scatter [tilespmem:s12], [sflag:$0x5], $0x10, $0x38;
	[tilespmem:$0x1F410] =	vst v63  }
0x1b: {  	_ =	swait.ge [sflag:s23], $0x10  }
0x1c: {  	[sflag:s23] =	ssyncset.done $0x0  }
0x1d: {  	[sflag:s23] =	ssyncadd.s32 $0xFFFFFFF0  }
.LBB2_1:
0x1e: {  	s12 =	rddreg [dreg:$0x3]  }
0x1f: {  	s13 =	rddreg [dreg:$0x4]  }
0x20: {  	[spmem:s22], [sflag:s13] =	dma.local [hbm:s12], $0x30D4  }
0x21: {  	_ =	swait.ge [sflag:s23], $0x30D4  }
0x22: {  	[sflag:s23] =	ssyncset.done $0x0  }
0x23: {  	v1 =	vimm.f32 $0.0e+00;
	s12 =	simm.s32 $0x0;
	[sflag:s23] =	ssyncadd.s32 $0xFFFFCF2C  }
.LBB2_2:
0x24: {  	s13 =	smul.u32 $0x190, s12;
	_ =	sdelay $0x1  }
0x25: {  	s13 =	sadd.s32 s9, s13  }
0x26: {  	s14 =	smulhi.u32 $0x51EB851F, s13  }
0x27: {  	s13 =	sshll.u32 s13, $0x1  }
0x28: {  	s13 =	sand.u32 $0x1FFFFFE0, s13;
	s14 =	sshrl.u32 s14, $0x7  }
0x29: {  	s15 =	simm.s32 $0x0;
	s13 =	sadd.s32 s4, s13;
	s14 =	smul.u32 $0x190, s14  }
0x2a: {  	[tilespmem:s24], [sflag:$0x5] =	stream.linear.gather [hbm4b:s13+s15], $0x1900, $0x38;
	[tilespmem:$0x1F410] =	vst v63  }
0x2b: {  	s16 =	sshrl.u32 s14, $0x3  }
0x2c: {  	s13 =	sadd.s32 s5, s16  }
0x2d: {  	[tilespmem:s25], [sflag:$0x5] =	stream.linear.gather [hbm4b:s13+s15], $0x190, $0x38;
	[tilespmem:$0x1F410] =	vst v63  }
0x2e: {  	_ =	swait.ge [sflag:s23], $0x1900  }
0x2f: {  	[sflag:s23] =	ssyncset.done $0x0  }
0x30: {  	[sflag:s23] =	ssyncadd.s32 $0xFFFFE700  }
0x31: {  	_ =	swait.ge [sflag:s23], $0x190  }
0x32: {  	[sflag:s23] =	ssyncset.done $0x0  }
0x33: {  	s17 =	simm.s32 $0x0;
	[sflag:s23] =	ssyncadd.s32 $0xFFFFFE70  }
0x34: {  	v0 =	vld [tilespmem:s17+$0x640]  }
0x35: {  	s13 =	simm.s32 $0x9E0  }
0x36: {  	v2 =	vld [tilespmem:s13+$0xFFFFFF80];
	_ =	sdelay $0x1  }
0x37: {  	v3 =	vld [tilespmem:s13+$0xFFFFFF90]  }
0x38: {  	v4 =	vbroadcast v0, $0x0  }
0x39: {  	v5 =	vld [tilespmem:s13+$0xFFFFFFA0]  }
0x3a: {  	v2 =	vmul.f32 v2, v4;
	v4 =	vbroadcast v0, $0x1  }
0x3b: {  	v6 =	vld [tilespmem:s13+$0xFFFFFFB0]  }
0x3c: {  	v1 =	vadd.f32 v2, v1;
	v2 =	vmul.f32 v3, v4;
	v3 =	vbroadcast v0, $0x2  }
0x3d: {  	v4 =	vld [tilespmem:s13+$0xFFFFFFC0]  }
0x3e: {  	v1 =	vadd.f32 v2, v1;
	v2 =	vmul.f32 v5, v3;
	v3 =	vbroadcast v0, $0x3  }
0x3f: {  	v5 =	vld [tilespmem:s13+$0xFFFFFFD0]  }
0x40: {  	v1 =	vadd.f32 v2, v1;
	v2 =	vmul.f32 v6, v3;
	v3 =	vbroadcast v0, $0x4  }
0x41: {  	v6 =	vld [tilespmem:s13+$0xFFFFFFE0]  }
0x42: {  	v1 =	vadd.f32 v2, v1;
	v2 =	vmul.f32 v4, v3;
	v3 =	vbroadcast v0, $0x5  }
0x43: {  	v4 =	vld [tilespmem:s13+$0xFFFFFFF0]  }
0x44: {  	v1 =	vadd.f32 v2, v1;
	v2 =	vmul.f32 v5, v3;
	v3 =	vbroadcast v0, $0x6  }
0x45: {  	v5 =	vld [tilespmem:s13+$0x0]  }
0x46: {  	v1 =	vadd.f32 v2, v1;
	v2 =	vmul.f32 v6, v3;
	v3 =	vbroadcast v0, $0x7  }
0x47: {  	v6 =	vld [tilespmem:s13+$0x10]  }
0x48: {  	v1 =	vadd.f32 v2, v1;
	v2 =	vmul.f32 v4, v3;
	v3 =	vbroadcast v0, $0x8  }
0x49: {  	v4 =	vld [tilespmem:s13+$0x20]  }
0x4a: {  	v1 =	vadd.f32 v2, v1;
	v2 =	vmul.f32 v5, v3;
	v3 =	vbroadcast v0, $0x9  }
0x4b: {  	v5 =	vld [tilespmem:s13+$0x30]  }
0x4c: {  	v1 =	vadd.f32 v2, v1;
	v2 =	vmul.f32 v6, v3;
	v3 =	vbroadcast v0, $0xA  }
0x4d: {  	v6 =	vld [tilespmem:s13+$0x40]  }
0x4e: {  	v1 =	vadd.f32 v2, v1;
	v2 =	vmul.f32 v4, v3;
	v4 =	vbroadcast v0, $0xB  }
0x4f: {  	v3 =	vld [tilespmem:s13+$0x50]  }
0x50: {  	v2 =	vadd.f32 v2, v1;
	v4 =	vmul.f32 v5, v4;
	v5 =	vbroadcast v0, $0xC  }
0x51: {  	v1 =	vld [tilespmem:s13+$0x60]  }
0x52: {  	s14 =	simm.s32 $0x80;
	s15 =	simm.s32 $0x10;
	v4 =	vadd.f32 v4, v2;
	v5 =	vmul.f32 v6, v5;
	v6 =	vbroadcast v0, $0xD;
	v2 =	vld [tilespmem:s13+$0x70]  }
.LBB2_3:
0x53: {  	p0 =	sne.s32 s14, $0x600;
	v7 =	vld [tilespmem:s15+$0x640]  }
0x54: {  	s13 =	sadd.s32 $0x100, s13;
	v4 =	vadd.f32 v5, v4;
	v3 =	vmul.f32 v3, v6;
	v5 =	vbroadcast v0, $0xE  }
0x55: {  	v6 =	vld [tilespmem:s13+$0xFFFFFF80]  }
0x56: {  	v8 =	vbroadcast v0, $0xF;
	v3 =	vadd.f32 v3, v4;
	v1 =	vmul.f32 v1, v5  }
0x57: {  	v4 =	vld [tilespmem:s13+$0xFFFFFF90]  }
0x58: {  	v2 =	vmul.f32 v2, v8;
	v5 =	vbroadcast v7, $0x0;
	v1 =	vadd.f32 v1, v3;
	v0 =	vmovc v7  }
0x59: {  	v3 =	vld [tilespmem:s13+$0xFFFFFFA0]  }
0x5a: {  	v5 =	vmul.f32 v6, v5;
	v6 =	vbroadcast v0, $0x1;
	v1 =	vadd.f32 v2, v1  }
0x5b: {  	v2 =	vld [tilespmem:s13+$0xFFFFFFB0]  }
0x5c: {  	v1 =	vadd.f32 v5, v1;
	v4 =	vmul.f32 v4, v6;
	v5 =	vbroadcast v0, $0x2  }
0x5d: {  	v6 =	vld [tilespmem:s13+$0xFFFFFFC0]  }
0x5e: {  	v1 =	vadd.f32 v4, v1;
	v3 =	vmul.f32 v3, v5;
	v4 =	vbroadcast v0, $0x3  }
0x5f: {  	v5 =	vld [tilespmem:s13+$0xFFFFFFD0]  }
0x60: {  	v1 =	vadd.f32 v3, v1;
	v2 =	vmul.f32 v2, v4;
	v3 =	vbroadcast v0, $0x4  }
0x61: {  	v4 =	vld [tilespmem:s13+$0xFFFFFFE0]  }
0x62: {  	v1 =	vadd.f32 v2, v1;
	v2 =	vmul.f32 v6, v3;
	v3 =	vbroadcast v0, $0x5  }
0x63: {  	v6 =	vld [tilespmem:s13+$0xFFFFFFF0]  }
0x64: {  	v1 =	vadd.f32 v2, v1;
	v2 =	vmul.f32 v5, v3;
	v3 =	vbroadcast v0, $0x6  }
0x65: {  	v5 =	vld [tilespmem:s13+$0x0]  }
0x66: {  	v1 =	vadd.f32 v2, v1;
	v2 =	vmul.f32 v4, v3;
	v3 =	vbroadcast v0, $0x7  }
0x67: {  	v4 =	vld [tilespmem:s13+$0x10]  }
0x68: {  	v1 =	vadd.f32 v2, v1;
	v2 =	vmul.f32 v6, v3;
	v3 =	vbroadcast v0, $0x8  }
0x69: {  	v6 =	vld [tilespmem:s13+$0x20]  }
0x6a: {  	v1 =	vadd.f32 v2, v1;
	v2 =	vmul.f32 v5, v3;
	v3 =	vbroadcast v0, $0x9  }
0x6b: {  	v5 =	vld [tilespmem:s13+$0x30]  }
0x6c: {  	v1 =	vadd.f32 v2, v1;
	v2 =	vmul.f32 v4, v3;
	v3 =	vbroadcast v0, $0xA  }
0x6d: {  	v7 =	vld [tilespmem:s13+$0x40]  }
.Ltmp2:
0x6e: {  	v4 =	vbroadcast v0, $0xB;
	v1 =	vadd.f32 v2, v1;
	v2 =	vmul.f32 v6, v3;
	(pc) =	sbr.rel @p0 .LBB2_3-.Ltmp2, $4  }
0x6f: {  	v3 =	vld [tilespmem:s13+$0x50]  }
0x70: {  	v2 =	vadd.f32 v2, v1;
	v4 =	vmul.f32 v5, v4;
	v5 =	vbroadcast v0, $0xC  }
0x71: {  	v1 =	vld [tilespmem:s13+$0x60]  }
0x72: {  	s15 =	sshra.s32 s14, $0x2;
	s14 =	sadd.s32 $0x40, s14;
	v6 =	vbroadcast v0, $0xD;
	v4 =	vadd.f32 v4, v2;
	v5 =	vmul.f32 v7, v5;
	v2 =	vld [tilespmem:s13+$0x70]  }
0x73: {  	v7 =	vld [tilespmem:s15+$0x640]  }
0x74: {  	v50 =	vbroadcast v0, $0xE;
	s13 =	sadd.s32 $0x100, s13;
	v4 =	vadd.f32 v5, v4;
	v3 =	vmul.f32 v3, v6  }
0x75: {  	v51 =	vld [tilespmem:s13+$0xFFFFFF80]  }
0x76: {  	v0 =	vbroadcast v0, $0xF;
	v3 =	vadd.f32 v3, v4;
	v1 =	vmul.f32 v1, v50  }
0x77: {  	v52 =	vld [tilespmem:s13+$0xFFFFFF90]  }
0x78: {  	v0 =	vmul.f32 v2, v0;
	v53 =	vbroadcast v7, $0x0;
	v1 =	vadd.f32 v1, v3  }
0x79: {  	v2 =	vld [tilespmem:s13+$0xFFFFFFA0]  }
0x7a: {  	v54 =	vbroadcast v7, $0x1;
	v3 =	vmul.f32 v51, v53;
	v0 =	vadd.f32 v0, v1  }
0x7b: {  	v1 =	vld [tilespmem:s13+$0xFFFFFFB0]  }
0x7c: {  	v55 =	vbroadcast v7, $0x2;
	v0 =	vadd.f32 v3, v0;
	v3 =	vmul.f32 v52, v54  }
0x7d: {  	v56 =	vld [tilespmem:s13+$0xFFFFFFC0]  }
0x7e: {  	v2 =	vmul.f32 v2, v55;
	v0 =	vadd.f32 v3, v0;
	v3 =	vbroadcast v7, $0x3  }
0x7f: {  	v57 =	vld [tilespmem:s13+$0xFFFFFFD0]  }
0x80: {  	v0 =	vadd.f32 v2, v0;
	v1 =	vmul.f32 v1, v3;
	v2 =	vbroadcast v7, $0x4  }
0x81: {  	v3 =	vld [tilespmem:s13+$0xFFFFFFE0]  }
0x82: {  	v0 =	vadd.f32 v1, v0;
	v1 =	vmul.f32 v56, v2;
	v2 =	vbroadcast v7, $0x5  }
0x83: {  	v58 =	vld [tilespmem:s13+$0xFFFFFFF0]  }
0x84: {  	v0 =	vadd.f32 v1, v0;
	v1 =	vmul.f32 v57, v2;
	v2 =	vbroadcast v7, $0x6  }
0x85: {  	v59 =	vld [tilespmem:s13+$0x0]  }
0x86: {  	v0 =	vadd.f32 v1, v0;
	v1 =	vmul.f32 v3, v2;
	v2 =	vbroadcast v7, $0x7  }
0x87: {  	v3 =	vld [tilespmem:s13+$0x10]  }
0x88: {  	v0 =	vadd.f32 v1, v0;
	v1 =	vmul.f32 v58, v2;
	v2 =	vbroadcast v7, $0x8  }
0x89: {  	v60 =	vld [tilespmem:s13+$0x20]  }
0x8a: {  	v0 =	vadd.f32 v1, v0;
	v1 =	vmul.f32 v59, v2;
	v2 =	vbroadcast v7, $0x9  }
0x8b: {  	v61 =	vld [tilespmem:s13+$0x30]  }
0x8c: {  	v0 =	vadd.f32 v1, v0;
	v1 =	vmul.f32 v3, v2;
	v2 =	vbroadcast v7, $0xA  }
0x8d: {  	v3 =	vld [tilespmem:s13+$0x40]  }
0x8e: {  	v0 =	vadd.f32 v1, v0;
	v1 =	vmul.f32 v60, v2;
	v2 =	vbroadcast v7, $0xB  }
0x8f: {  	v62 =	vld [tilespmem:s13+$0x50]  }
0x90: {  	v0 =	vadd.f32 v1, v0;
	v1 =	vmul.f32 v61, v2;
	v2 =	vbroadcast v7, $0xC  }
0x91: {  	v63 =	vld [tilespmem:s13+$0x60]  }
0x92: {  	v0 =	vadd.f32 v1, v0;
	v1 =	vmul.f32 v3, v2;
	v2 =	vbroadcast v7, $0xD  }
0x93: {  	v3 =	vld [tilespmem:s13+$0x70]  }
0x94: {  	s12 =	sadd.s32 $0x1, s12;
	v0 =	vadd.f32 v1, v0;
	v1 =	vmul.f32 v62, v2;
	v2 =	vbroadcast v7, $0xE  }
0x95: {  	p0 =	sne.s32 s12, $0x8  }
.Ltmp3:
0x96: {  	v0 =	vadd.f32 v1, v0;
	v1 =	vmul.f32 v63, v2;
	v2 =	vbroadcast v7, $0xF;
	(pc) =	sbr.rel @p0 .LBB2_2-.Ltmp3, $3  }
0x97: {  	_ = 	snop  }
0x98: {  	v0 =	vadd.f32 v1, v0;
	v1 =	vmul.f32 v3, v2;
	_ =	sdelay $0x1  }
0x99: {  	v1 =	vadd.f32 v1, v0  }
0x9a: {  	[bflag:$0x0] =	sbarrier.arrive $0xFFFF  }
0x9b: {  	s12 =	simm.s32 $0x0;
	s13 =	rddreg [dreg:$0x5]  }
0x9c: {  	[tilespmem:s12], [sflag:$0x1] =	stream.linear.gather [hbm4b:s13+s12], $0x190, $0x38;
	[tilespmem:$0x1F410] =	vst v63  }
0x9d: {  	s14 =	simm.s32 $0x320;
	s15 =	rddreg [dreg:$0x6]  }
0x9e: {  	[tilespmem:s14], [sflag:$0x1] =	stream.linear.gather [hbm4b:s15+s12], $0x190, $0x38;
	[tilespmem:$0x1F410] =	vst v63  }
0x9f: {  	s16 =	rddreg [dreg:$0x7]  }
0xa0: {  	[tilespmem:s25], [sflag:$0x1] =	stream.linear.gather [hbm4b:s16+s12], $0x190, $0x38;
	[tilespmem:$0x1F410] =	vst v63  }
0xa1: {  	_ =	swait.ge [sflag:s28], $0x190  }
0xa2: {  	[sflag:s28] =	ssyncset.done $0x0  }
0xa3: {  	[sflag:s28] =	ssyncadd.s32 $0xFFFFFE70  }
0xa4: {  	_ =	swait.ge [sflag:s28], $0x190  }
0xa5: {  	[sflag:s28] =	ssyncset.done $0x0  }
0xa6: {  	[sflag:s28] =	ssyncadd.s32 $0xFFFFFE70  }
0xa7: {  	_ =	swait.ge [sflag:s28], $0x190  }
0xa8: {  	[sflag:s28] =	ssyncset.done $0x0  }
0xa9: {  	[sflag:s28] =	ssyncadd.s32 $0xFFFFFE70  }
0xaa: {  	[tilespmem:s24], [sflag:$0x3] =	stream.indirect.gather [spmem:s1], $0x10, s12, s29, $0xb8;
	[tilespmem:$0x1F410] =	vst v63  }
0xab: {  	s17 =	simm.s32 $0x3B60  }
0xac: {  	[tilespmem:s17], [sflag:$0x3] =	stream.indirect.gather [spmem:s1], $0x10, s14, s29, $0xb8;
	[tilespmem:$0x1F410] =	vst v63  }
0xad: {  	s15 =	rddreg [dreg:$0x8]  }
0xae: {  	[tilespmem:s29], [sflag:$0x2] =	stream.linear.gather [hbm4b:s15+s12], $0x190, $0x38;
	[tilespmem:$0x1F410] =	vst v63  }
0xaf: {  	s16 =	rddreg [dreg:$0x9]  }
0xb0: {  	[tilespmem:s31], [sflag:$0x2] =	stream.linear.gather [hbm4b:s16+s12], $0x190, $0x38;
	[tilespmem:$0x1F410] =	vst v63  }
0xb1: {  	s17 =	rddreg [dreg:$0xa]  }
0xb2: {  	[tilespmem:s0], [sflag:$0x2] =	stream.linear.gather [hbm4b:s17+s12], $0x190, $0x38;
	[tilespmem:$0x1F410] =	vst v63  }
.LBB2_6:
0xb3: {  	_ =	swait.ge [sflag:s3], $0x1900  }
0xb4: {  	[sflag:s3] =	ssyncset.done $0x0  }
0xb5: {  	[sflag:s3] =	ssyncadd.s32 $0xFFFFE700  }
0xb6: {  	_ =	swait.ge [sflag:s3], $0x1900  }
0xb7: {  	[sflag:s3] =	ssyncset.done $0x0  }
0xb8: {  	[sflag:s3] =	ssyncadd.s32 $0xFFFFE700  }
0xb9: {  	_ =	swait.ge [sflag:s30], $0x190  }
0xba: {  	[sflag:s30] =	ssyncset.done $0x0  }
0xbb: {  	[sflag:s30] =	ssyncadd.s32 $0xFFFFFE70  }
0xbc: {  	_ =	swait.ge [sflag:s30], $0x190  }
0xbd: {  	[sflag:s30] =	ssyncset.done $0x0  }
0xbe: {  	[sflag:s30] =	ssyncadd.s32 $0xFFFFFE70  }
0xbf: {  	_ =	swait.ge [sflag:s30], $0x190  }
0xc0: {  	[sflag:s30] =	ssyncset.done $0x0  }
0xc1: {  	[sflag:s30] =	ssyncadd.s32 $0xFFFFFE70  }
0xc2: {  	[tilespmem:s10], [sflag:$0x4] =	stream.indirect.gather [spmem:s1], $0x10, s29, s29, $0xb8;
	[tilespmem:$0x1F410] =	vst v63  }
0xc3: {  	s13 =	simm.s32 $0x640  }
0xc4: {  	[tilespmem:s11], [sflag:$0x4] =	stream.indirect.gather [spmem:s1], $0x10, s31, s29, $0xb8;
	[tilespmem:$0x1F410] =	vst v63  }
0xc5: {  	s17 =	simm.s32 $0x0;
	v0 =	vld [tilespmem:s13+$0x0]  }
0xc6: {  	v2 =	vld [tilespmem:s17+$0x960]  }
0xc7: {  	v3 =	vld [tilespmem:s17+$0x3B60]  }
0xc8: {  	v4 =	vld [tilespmem:s17+$0x970]  }
0xc9: {  	v5 =	vld [tilespmem:s17+$0x3B70]  }
0xca: {  	v6 =	vld [tilespmem:s17+$0x980]  }
0xcb: {  	v7 =	vld [tilespmem:s17+$0x3B80]  }
0xcc: {  	v8 =	vld [tilespmem:s17+$0x990];
	v2 =	vmul.f32 v3, v2;
	v3 =	vbroadcast v0, $0x0  }
0xcd: {  	v9 =	vld [tilespmem:s17+$0x3B90];
	v10 =	vbroadcast v0, $0x1  }
0xce: {  	v11 =	vld [tilespmem:s17+$0x9A0];
	v2 =	vmul.f32 v2, v3;
	v3 =	vmul.f32 v5, v4  }
0xcf: {  	v4 =	vld [tilespmem:s17+$0x3BA0];
	v5 =	vbroadcast v0, $0x2  }
0xd0: {  	v12 =	vld [tilespmem:s17+$0x9B0];
	v1 =	vadd.f32 v2, v1;
	v2 =	vmul.f32 v3, v10;
	v3 =	vmul.f32 v7, v6  }
0xd1: {  	v6 =	vld [tilespmem:s17+$0x3BB0];
	v7 =	vbroadcast v0, $0x3  }
0xd2: {  	v10 =	vld [tilespmem:s17+$0x9C0];
	v1 =	vadd.f32 v2, v1;
	v2 =	vmul.f32 v3, v5;
	v3 =	vmul.f32 v9, v8  }
0xd3: {  	v5 =	vld [tilespmem:s17+$0x3BC0];
	v8 =	vbroadcast v0, $0x4  }
0xd4: {  	v9 =	vld [tilespmem:s17+$0x9D0];
	v1 =	vadd.f32 v2, v1;
	v2 =	vmul.f32 v3, v7;
	v3 =	vmul.f32 v4, v11  }
0xd5: {  	v4 =	vld [tilespmem:s17+$0x3BD0];
	v7 =	vbroadcast v0, $0x5  }
0xd6: {  	v11 =	vld [tilespmem:s17+$0x9E0];
	v1 =	vadd.f32 v2, v1;
	v2 =	vmul.f32 v3, v8;
	v3 =	vmul.f32 v6, v12  }
0xd7: {  	v6 =	vld [tilespmem:s17+$0x3BE0];
	v8 =	vbroadcast v0, $0x6  }
0xd8: {  	v62 =	vld [tilespmem:s17+$0x9F0];
	v1 =	vadd.f32 v2, v1;
	v2 =	vmul.f32 v3, v7;
	v3 =	vmul.f32 v5, v10  }
0xd9: {  	v5 =	vld [tilespmem:s17+$0x3BF0];
	v7 =	vbroadcast v0, $0x7  }
0xda: {  	v10 =	vld [tilespmem:s17+$0xA00];
	v1 =	vadd.f32 v2, v1;
	v2 =	vmul.f32 v3, v8;
	v3 =	vmul.f32 v4, v9  }
0xdb: {  	v4 =	vld [tilespmem:s17+$0x3C00];
	v8 =	vbroadcast v0, $0x8  }
0xdc: {  	v9 =	vld [tilespmem:s17+$0xA10];
	v1 =	vadd.f32 v2, v1;
	v2 =	vmul.f32 v3, v7;
	v3 =	vmul.f32 v6, v11  }
0xdd: {  	v6 =	vld [tilespmem:s17+$0x3C10];
	v7 =	vbroadcast v0, $0x9  }
0xde: {  	v11 =	vld [tilespmem:s17+$0xA20];
	v1 =	vadd.f32 v2, v1;
	v2 =	vmul.f32 v3, v8;
	v3 =	vmul.f32 v5, v62  }
0xdf: {  	v5 =	vld [tilespmem:s17+$0x3C20];
	v8 =	vbroadcast v0, $0xA  }
0xe0: {  	v63 =	vld [tilespmem:s17+$0xA30];
	v4 =	vmul.f32 v4, v10;
	v1 =	vadd.f32 v2, v1;
	v2 =	vmul.f32 v3, v7  }
0xe1: {  	v13 =	vld [tilespmem:s17+$0x3C30];
	v7 =	vbroadcast v0, $0xB  }
0xe2: {  	v3 =	vld [tilespmem:s17+$0xA40];
	v4 =	vmul.f32 v4, v8;
	v8 =	vmul.f32 v6, v9;
	v1 =	vadd.f32 v2, v1  }
0xe3: {  	v6 =	vld [tilespmem:s17+$0x3C40];
	v9 =	vbroadcast v0, $0xC  }
0xe4: {  	v2 =	vld [tilespmem:s17+$0xA50];
	v5 =	vmul.f32 v5, v11;
	v8 =	vmul.f32 v8, v7;
	v11 =	vadd.f32 v4, v1  }
0xe5: {  	s14 =	simm.s32 $0x650;
	v7 =	vbroadcast v0, $0xD;
	v4 =	vld [tilespmem:s17+$0x3C50]  }
0xe6: {  	s13 =	simm.s32 $0x100;
	v1 =	vld [tilespmem:s14+$0x0];
	v10 =	vmul.f32 v5, v9;
	v9 =	vadd.f32 v8, v11;
	v11 =	vmul.f32 v13, v63  }
0xe7: {  	s15 =	simm.s32 $0x800;
	v5 =	vld [tilespmem:s13+$0x960];
	v8 =	vbroadcast v0, $0xE  }
.LBB2_7:
0xe8: {  	p0 =	sne.s32 s15, $0x6000;
	v12 =	vld [tilespmem:s13+$0x3B60];
	v9 =	vadd.f32 v10, v9;
	v7 =	vmul.f32 v11, v7;
	v3 =	vmul.f32 v6, v3  }
0xe9: {  	v10 =	vbroadcast v0, $0xF;
	v6 =	vld [tilespmem:s13+$0x970]  }
0xea: {  	v11 =	vld [tilespmem:s13+$0x3B70];
	v7 =	vadd.f32 v7, v9;
	v3 =	vmul.f32 v3, v8;
	v2 =	vmul.f32 v4, v2  }
0xeb: {  	v4 =	vld [tilespmem:s13+$0x980];
	v0 =	vmov v1  }
0xec: {  	v1 =	vld [tilespmem:s13+$0x3B80];
	v3 =	vadd.f32 v3, v7;
	v2 =	vmul.f32 v2, v10  }
0xed: {  	v7 =	vbroadcast v0, $0x0;
	v5 =	vmul.f32 v12, v5;
	v8 =	vld [tilespmem:s13+$0x990]  }
0xee: {  	v9 =	vbroadcast v0, $0x1;
	v10 =	vld [tilespmem:s13+$0x3B90];
	v2 =	vadd.f32 v2, v3  }
0xef: {  	v3 =	vmul.f32 v5, v7;
	v5 =	vmul.f32 v11, v6;
	v6 =	vld [tilespmem:s13+$0x9A0]  }
0xf0: {  	v7 =	vbroadcast v0, $0x2;
	v11 =	vld [tilespmem:s13+$0x3BA0]  }
0xf1: {  	v2 =	vadd.f32 v3, v2;
	v3 =	vmul.f32 v5, v9;
	v1 =	vmul.f32 v1, v4;
	v4 =	vld [tilespmem:s13+$0x9B0]  }
0xf2: {  	v5 =	vbroadcast v0, $0x3;
	v9 =	vld [tilespmem:s13+$0x3BB0]  }
0xf3: {  	v2 =	vadd.f32 v3, v2;
	v1 =	vmul.f32 v1, v7;
	v3 =	vmul.f32 v10, v8;
	v7 =	vld [tilespmem:s13+$0x9C0]  }
0xf4: {  	v8 =	vbroadcast v0, $0x4;
	v10 =	vld [tilespmem:s13+$0x3BC0]  }
0xf5: {  	v1 =	vadd.f32 v1, v2;
	v2 =	vmul.f32 v3, v5;
	v3 =	vmul.f32 v11, v6;
	v5 =	vld [tilespmem:s13+$0x9D0]  }
0xf6: {  	v6 =	vbroadcast v0, $0x5;
	v11 =	vld [tilespmem:s13+$0x3BD0]  }
0xf7: {  	v1 =	vadd.f32 v2, v1;
	v2 =	vmul.f32 v3, v8;
	v3 =	vmul.f32 v9, v4;
	v4 =	vld [tilespmem:s13+$0x9E0]  }
0xf8: {  	v8 =	vbroadcast v0, $0x6;
	v9 =	vld [tilespmem:s13+$0x3BE0]  }
0xf9: {  	v1 =	vadd.f32 v2, v1;
	v2 =	vmul.f32 v3, v6;
	v3 =	vmul.f32 v10, v7;
	v6 =	vld [tilespmem:s13+$0x9F0]  }
0xfa: {  	v7 =	vbroadcast v0, $0x7;
	v10 =	vld [tilespmem:s13+$0x3BF0]  }
0xfb: {  	v1 =	vadd.f32 v2, v1;
	v2 =	vmul.f32 v3, v8;
	v3 =	vmul.f32 v11, v5;
	v5 =	vld [tilespmem:s13+$0xA00]  }
0xfc: {  	v8 =	vbroadcast v0, $0x8;
	v11 =	vld [tilespmem:s13+$0x3C00]  }
0xfd: {  	v1 =	vadd.f32 v2, v1;
	v2 =	vmul.f32 v3, v7;
	v3 =	vmul.f32 v9, v4;
	v4 =	vld [tilespmem:s13+$0xA10]  }
0xfe: {  	v7 =	vbroadcast v0, $0x9;
	v9 =	vld [tilespmem:s13+$0x3C10]  }
0xff: {  	v1 =	vadd.f32 v2, v1;
	v2 =	vmul.f32 v3, v8;
	v3 =	vmul.f32 v10, v6;
	v8 =	vld [tilespmem:s13+$0xA20]  }
0x100: {  	v6 =	vbroadcast v0, $0xA;
	v10 =	vld [tilespmem:s13+$0x3C20]  }
0x101: {  	v1 =	vadd.f32 v2, v1;
	v2 =	vmul.f32 v3, v7;
	v3 =	vmul.f32 v11, v5;
	v5 =	vld [tilespmem:s13+$0xA30]  }
0x102: {  	v7 =	vbroadcast v0, $0xB;
	v11 =	vld [tilespmem:s13+$0x3C30]  }
0x103: {  	v1 =	vadd.f32 v2, v1;
	v2 =	vmul.f32 v3, v6;
	v4 =	vmul.f32 v9, v4;
	v3 =	vld [tilespmem:s13+$0xA40]  }
.Ltmp4:
0x104: {  	v12 =	vbroadcast v0, $0xC;
	v6 =	vld [tilespmem:s13+$0x3C40];
	(pc) =	sbr.rel @p0 .LBB2_7-.Ltmp4, $4  }
0x105: {  	v9 =	vadd.f32 v2, v1;
	v13 =	vmul.f32 v4, v7;
	v8 =	vmul.f32 v10, v8;
	v2 =	vld [tilespmem:s13+$0xA50]  }
0x106: {  	s14 =	sadd.s32 $0x10, s14;
	v7 =	vbroadcast v0, $0xD;
	v4 =	vld [tilespmem:s13+$0x3C50]  }
0x107: {  	s13 =	sshra.s32 s15, $0x2;
	v1 =	vld [tilespmem:s14+$0x0];
	v9 =	vadd.f32 v13, v9;
	v10 =	vmul.f32 v8, v12;
	v11 =	vmul.f32 v11, v5  }
0x108: {  	s15 =	sadd.s32 $0x400, s15;
	v8 =	vbroadcast v0, $0xE;
	v5 =	vld [tilespmem:s13+$0x960]  }
0x109: {  	v12 =	vld [tilespmem:s13+$0x3B60]  }
0x10a: {  	v13 =	vld [tilespmem:s13+$0x970]  }
0x10b: {  	v14 =	vld [tilespmem:s13+$0x3B70]  }
0x10c: {  	v15 =	vld [tilespmem:s13+$0x980]  }
0x10d: {  	v16 =	vld [tilespmem:s13+$0x3B80]  }
0x10e: {  	v17 =	vld [tilespmem:s13+$0x990]  }
0x10f: {  	v18 =	vld [tilespmem:s13+$0x3B90]  }
0x110: {  	v19 =	vld [tilespmem:s13+$0x9A0]  }
0x111: {  	v20 =	vld [tilespmem:s13+$0x3BA0]  }
0x112: {  	v21 =	vld [tilespmem:s13+$0x9B0]  }
0x113: {  	v22 =	vld [tilespmem:s13+$0x3BB0]  }
0x114: {  	v23 =	vld [tilespmem:s13+$0x9C0]  }
0x115: {  	v24 =	vld [tilespmem:s13+$0x3BC0]  }
0x116: {  	v25 =	vld [tilespmem:s13+$0x9D0]  }
0x117: {  	v26 =	vld [tilespmem:s13+$0x3BD0]  }
0x118: {  	v27 =	vld [tilespmem:s13+$0x9E0]  }
0x119: {  	v28 =	vld [tilespmem:s13+$0x3BE0]  }
0x11a: {  	v29 =	vld [tilespmem:s13+$0x9F0]  }
0x11b: {  	v30 =	vld [tilespmem:s13+$0x3BF0]  }
0x11c: {  	v31 =	vld [tilespmem:s13+$0xA00]  }
0x11d: {  	v32 =	vld [tilespmem:s13+$0x3C00]  }
0x11e: {  	v33 =	vld [tilespmem:s13+$0xA10]  }
0x11f: {  	v34 =	vld [tilespmem:s13+$0x3C10]  }
0x120: {  	v35 =	vld [tilespmem:s13+$0xA20]  }
0x121: {  	v36 =	vld [tilespmem:s13+$0x3C20]  }
0x122: {  	v37 =	vld [tilespmem:s13+$0xA30]  }
0x123: {  	v38 =	vld [tilespmem:s13+$0x3C30]  }
0x124: {  	v39 =	vld [tilespmem:s13+$0xA40]  }
0x125: {  	v40 =	vld [tilespmem:s13+$0x3C40];
	p0 =	seq.s32 s12, $0x7C  }
0x126: {  	v41 =	vld [tilespmem:s13+$0xA50];
	s14 =	simm.s32 @p0 $0x4  }
0x127: {  	v42 =	vld [tilespmem:s13+$0x3C50];
	_ =	swait.ge @p0 [sflag:s14], $0x1900  }
0x128: {  	s13 =	sshll.u32 s12, $0x1;
	v3 =	vmul.f32 v6, v3;
	v6 =	vadd.f32 v10, v9;
	v7 =	vmul.f32 v11, v7;
	[sflag:s14] =	ssyncset.done @p0 $0x0  }
0x129: {  	v0 =	vbroadcast v0, $0xF;
	s15 =	sadd.s32 @!p0 s13, s18;
	[sflag:s14] =	ssyncadd.s32 @p0 $0xFFFFE700  }
0x12a: {  	s16 =	smul.u32 @!p0 $0x32, s15;
	v3 =	vmul.f32 v3, v8;
	v6 =	vadd.f32 v7, v6;
	v2 =	vmul.f32 v4, v2;
	_ =	swait.ge @p0 [sflag:s14], $0x1900  }
0x12b: {  	[sflag:s14] =	ssyncset.done @p0 $0x0  }
0x12c: {  	s15 =	sadd.s32 @!p0 s7, s16;
	v3 =	vadd.f32 v3, v6;
	v0 =	vmul.f32 v2, v0;
	[sflag:s14] =	ssyncadd.s32 @p0 $0xFFFFE700;
	s14 =	simm.s32 @!p0 $0x0  }
0x12d: {  	v4 =	vmul.f32 v12, v5;
	v5 =	vbroadcast v1, $0x0;
	[tilespmem:s14], [sflag:$0x1] =	stream.linear.gather @!p0 [hbm4b:s15+s14], $0x190, $0x38;
	[tilespmem:$0x1F410] =	vst v63  }
0x12e: {  	s17 =	sadd.s32 @!p0 s8, s16;
	v0 =	vadd.f32 v0, v3;
	v3 =	vmul.f32 v14, v13;
	s15 =	simm.s32 @!p0 $0x320  }
0x12f: {  	v2 =	vmul.f32 v4, v5;
	v4 =	vbroadcast v1, $0x1;
	[tilespmem:s15], [sflag:$0x1] =	stream.linear.gather @!p0 [hbm4b:s17+s14], $0x190, $0x38;
	[tilespmem:$0x1F410] =	vst v63  }
0x130: {  	s16 =	sadd.s32 @!p0 s6, s16;
	v6 =	vbroadcast v1, $0x2;
	v5 =	vmul.f32 v16, v15;
	s17 =	simm.s32 @!p0 $0x640  }
0x131: {  	v0 =	vadd.f32 v2, v0;
	v2 =	vmul.f32 v3, v4;
	[tilespmem:s17], [sflag:$0x1] =	stream.linear.gather @!p0 [hbm4b:s16+s14], $0x190, $0x38;
	[tilespmem:$0x1F410] =	vst v63  }
0x132: {  	v3 =	vmul.f32 v5, v6;
	s16 =	simm.s32 @!p0 $0x4  }
0x133: {  	v4 =	vbroadcast v1, $0x3;
	v0 =	vadd.f32 v2, v0;
	v2 =	vmul.f32 v18, v17;
	_ =	swait.ge @!p0 [sflag:s16], $0x1900  }
0x134: {  	v5 =	vmul.f32 v20, v19;
	v6 =	vbroadcast v1, $0x4;
	[sflag:s16] =	ssyncset.done @!p0 $0x0  }
0x135: {  	v0 =	vadd.f32 v3, v0;
	v2 =	vmul.f32 v2, v4;
	[sflag:s16] =	ssyncadd.s32 @!p0 $0xFFFFE700  }
0x136: {  	v3 =	vmul.f32 v5, v6;
	_ =	swait.ge @!p0 [sflag:s16], $0x1900  }
0x137: {  	v4 =	vbroadcast v1, $0x5;
	v0 =	vadd.f32 v2, v0;
	v2 =	vmul.f32 v22, v21;
	[sflag:s16] =	ssyncset.done @!p0 $0x0  }
0x138: {  	v5 =	vmul.f32 v24, v23;
	v6 =	vbroadcast v1, $0x6;
	[sflag:s16] =	ssyncadd.s32 @!p0 $0xFFFFE700;
	s16 =	simm.s32 @!p0 $0x1  }
0x139: {  	v0 =	vadd.f32 v3, v0;
	v2 =	vmul.f32 v2, v4;
	_ =	swait.ge @!p0 [sflag:s16], $0x190  }
0x13a: {  	v3 =	vmul.f32 v5, v6;
	[sflag:s16] =	ssyncset.done @!p0 $0x0  }
0x13b: {  	v4 =	vbroadcast v1, $0x7;
	v0 =	vadd.f32 v2, v0;
	v2 =	vmul.f32 v26, v25;
	[sflag:s16] =	ssyncadd.s32 @!p0 $0xFFFFFE70  }
0x13c: {  	v5 =	vmul.f32 v28, v27;
	v6 =	vbroadcast v1, $0x8;
	_ =	swait.ge @!p0 [sflag:s16], $0x190  }
0x13d: {  	v0 =	vadd.f32 v3, v0;
	v2 =	vmul.f32 v2, v4;
	[sflag:s16] =	ssyncset.done @!p0 $0x0  }
0x13e: {  	v3 =	vmul.f32 v5, v6;
	[sflag:s16] =	ssyncadd.s32 @!p0 $0xFFFFFE70  }
0x13f: {  	v4 =	vbroadcast v1, $0x9;
	v0 =	vadd.f32 v2, v0;
	v2 =	vmul.f32 v30, v29;
	_ =	swait.ge @!p0 [sflag:s16], $0x190  }
0x140: {  	v5 =	vmul.f32 v32, v31;
	v6 =	vbroadcast v1, $0xA;
	[sflag:s16] =	ssyncset.done @!p0 $0x0  }
0x141: {  	s17 =	simm.s32 @!p0 $0x960;
	v0 =	vadd.f32 v3, v0;
	v2 =	vmul.f32 v2, v4;
	[sflag:s16] =	ssyncadd.s32 @!p0 $0xFFFFFE70;
	s16 =	simm.s32 @!p0 $0x190  }
0x142: {  	v3 =	vmul.f32 v5, v6;
	[tilespmem:s17], [sflag:$0x3] =	stream.indirect.gather @!p0 [spmem:s1], $0x10, s14, s16, $0xb8;
	[tilespmem:$0x1F410] =	vst v63  }
0x143: {  	v4 =	vmul.f32 v34, v33;
	v0 =	vadd.f32 v2, v0;
	v2 =	vbroadcast v1, $0xB;
	s14 =	simm.s32 @!p0 $0x3B60  }
0x144: {  	v5 =	vbroadcast v1, $0xC;
	[tilespmem:s14], [sflag:$0x3] =	stream.indirect.gather @!p0 [spmem:s1], $0x10, s15, s16, $0xb8;
	[tilespmem:$0x1F410] =	vst v63  }
0x145: {  	v3 =	vadd.f32 v3, v0;
	v2 =	vmul.f32 v4, v2;
	v4 =	vmul.f32 v36, v35;
	s16 =	simm.s32 $0x7D0  }
0x146: {  	v6 =	vbroadcast v1, $0xD;
	s17 =	simm.s32 $0x0;
	v0 =	vld [tilespmem:s16+$0x0]  }
0x147: {  	v7 =	vld [tilespmem:s17+$0x2260];
	v2 =	vadd.f32 v2, v3;
	v3 =	vmul.f32 v4, v5;
	v4 =	vmul.f32 v38, v37  }
0x148: {  	v8 =	vbroadcast v1, $0xE;
	v5 =	vld [tilespmem:s17+$0x5460]  }
0x149: {  	v9 =	vld [tilespmem:s17+$0x2270];
	v2 =	vadd.f32 v3, v2;
	v3 =	vmul.f32 v4, v6;
	v4 =	vmul.f32 v40, v39  }
0x14a: {  	v10 =	vmul.f32 v42, v41;
	v1 =	vbroadcast v1, $0xF;
	v6 =	vld [tilespmem:s17+$0x5470]  }
0x14b: {  	v11 =	vld [tilespmem:s17+$0x2280];
	v2 =	vadd.f32 v3, v2;
	v3 =	vmul.f32 v4, v8  }
0x14c: {  	v1 =	vmul.f32 v10, v1;
	v4 =	vld [tilespmem:s17+$0x5480]  }
0x14d: {  	v8 =	vld [tilespmem:s17+$0x2290];
	v2 =	vadd.f32 v3, v2;
	v3 =	vmul.f32 v5, v7;
	v5 =	vbroadcast v0, $0x0  }
0x14e: {  	v10 =	vbroadcast v0, $0x1;
	v7 =	vld [tilespmem:s17+$0x5490]  }
0x14f: {  	v59 =	vld [tilespmem:s17+$0x22A0];
	v1 =	vadd.f32 v1, v2;
	v2 =	vmul.f32 v3, v5;
	v3 =	vmul.f32 v6, v9  }
0x150: {  	v5 =	vld [tilespmem:s17+$0x54A0];
	v6 =	vbroadcast v0, $0x2  }
0x151: {  	v9 =	vld [tilespmem:s17+$0x22B0];
	v1 =	vadd.f32 v2, v1;
	v2 =	vmul.f32 v3, v10;
	v3 =	vmul.f32 v4, v11  }
0x152: {  	v4 =	vld [tilespmem:s17+$0x54B0];
	v10 =	vbroadcast v0, $0x3  }
0x153: {  	v11 =	vld [tilespmem:s17+$0x22C0];
	v1 =	vadd.f32 v2, v1;
	v2 =	vmul.f32 v3, v6;
	v3 =	vmul.f32 v7, v8  }
0x154: {  	v6 =	vld [tilespmem:s17+$0x54C0];
	v7 =	vbroadcast v0, $0x4  }
0x155: {  	v8 =	vld [tilespmem:s17+$0x22D0];
	v1 =	vadd.f32 v2, v1;
	v2 =	vmul.f32 v3, v10;
	v3 =	vmul.f32 v5, v59  }
0x156: {  	v5 =	vld [tilespmem:s17+$0x54D0];
	v10 =	vbroadcast v0, $0x5  }
0x157: {  	v60 =	vld [tilespmem:s17+$0x22E0];
	v1 =	vadd.f32 v2, v1;
	v2 =	vmul.f32 v3, v7;
	v3 =	vmul.f32 v4, v9  }
0x158: {  	v4 =	vld [tilespmem:s17+$0x54E0];
	v7 =	vbroadcast v0, $0x6  }
0x159: {  	v9 =	vld [tilespmem:s17+$0x22F0];
	v1 =	vadd.f32 v2, v1;
	v2 =	vmul.f32 v3, v10;
	v3 =	vmul.f32 v6, v11  }
0x15a: {  	v6 =	vld [tilespmem:s17+$0x54F0];
	v10 =	vbroadcast v0, $0x7  }
0x15b: {  	v11 =	vld [tilespmem:s17+$0x2300];
	v1 =	vadd.f32 v2, v1;
	v2 =	vmul.f32 v3, v7;
	v3 =	vmul.f32 v5, v8  }
0x15c: {  	v5 =	vld [tilespmem:s17+$0x5500];
	v7 =	vbroadcast v0, $0x8  }
0x15d: {  	v8 =	vld [tilespmem:s17+$0x2310];
	v1 =	vadd.f32 v2, v1;
	v2 =	vmul.f32 v3, v10;
	v3 =	vmul.f32 v4, v60  }
0x15e: {  	v4 =	vld [tilespmem:s17+$0x5510];
	v10 =	vbroadcast v0, $0x9  }
0x15f: {  	v61 =	vld [tilespmem:s17+$0x2320];
	v1 =	vadd.f32 v2, v1;
	v2 =	vmul.f32 v3, v7;
	v3 =	vmul.f32 v6, v9  }
0x160: {  	v6 =	vld [tilespmem:s17+$0x5520];
	v7 =	vbroadcast v0, $0xA  }
0x161: {  	v62 =	vld [tilespmem:s17+$0x2330];
	v5 =	vmul.f32 v5, v11;
	v1 =	vadd.f32 v2, v1;
	v3 =	vmul.f32 v3, v10  }
0x162: {  	v9 =	vbroadcast v0, $0xB;
	v11 =	vld [tilespmem:s17+$0x5530]  }
0x163: {  	v2 =	vld [tilespmem:s17+$0x2340];
	v5 =	vmul.f32 v5, v7;
	v7 =	vmul.f32 v4, v8;
	v1 =	vadd.f32 v3, v1  }
0x164: {  	v4 =	vld [tilespmem:s17+$0x5540];
	v8 =	vbroadcast v0, $0xC  }
0x165: {  	v3 =	vld [tilespmem:s17+$0x2350];
	v6 =	vmul.f32 v6, v61;
	v9 =	vmul.f32 v7, v9;
	v63 =	vadd.f32 v5, v1  }
0x166: {  	s15 =	simm.s32 $0x7E0;
	v7 =	vbroadcast v0, $0xD;
	v5 =	vld [tilespmem:s17+$0x5550]  }
0x167: {  	s14 =	simm.s32 $0x100;
	v1 =	vld [tilespmem:s15+$0x0];
	v11 =	vmul.f32 v11, v62;
	v10 =	vmul.f32 v6, v8;
	v9 =	vadd.f32 v9, v63  }
0x168: {  	s16 =	simm.s32 $0x800;
	v6 =	vld [tilespmem:s14+$0x2260];
	v8 =	vbroadcast v0, $0xE  }
.LBB2_9:
0x169: {  	p1 =	sne.s32 s16, $0x6000;
	v12 =	vld [tilespmem:s14+$0x5460];
	v9 =	vadd.f32 v10, v9;
	v7 =	vmul.f32 v11, v7;
	v2 =	vmul.f32 v4, v2  }
0x16a: {  	v10 =	vbroadcast v0, $0xF;
	v4 =	vld [tilespmem:s14+$0x2270]  }
0x16b: {  	v11 =	vld [tilespmem:s14+$0x5470];
	v7 =	vadd.f32 v7, v9;
	v2 =	vmul.f32 v2, v8;
	v3 =	vmul.f32 v5, v3  }
0x16c: {  	v5 =	vld [tilespmem:s14+$0x2280];
	v0 =	vmov v1  }
0x16d: {  	v1 =	vld [tilespmem:s14+$0x5480];
	v2 =	vadd.f32 v2, v7;
	v3 =	vmul.f32 v3, v10  }
0x16e: {  	v7 =	vbroadcast v0, $0x0;
	v6 =	vmul.f32 v12, v6;
	v8 =	vld [tilespmem:s14+$0x2290]  }
0x16f: {  	v9 =	vbroadcast v0, $0x1;
	v10 =	vld [tilespmem:s14+$0x5490];
	v2 =	vadd.f32 v3, v2  }
0x170: {  	v3 =	vmul.f32 v6, v7;
	v4 =	vmul.f32 v11, v4;
	v6 =	vld [tilespmem:s14+$0x22A0]  }
0x171: {  	v7 =	vbroadcast v0, $0x2;
	v11 =	vld [tilespmem:s14+$0x54A0]  }
0x172: {  	v2 =	vadd.f32 v3, v2;
	v3 =	vmul.f32 v4, v9;
	v1 =	vmul.f32 v1, v5;
	v4 =	vld [tilespmem:s14+$0x22B0]  }
0x173: {  	v5 =	vbroadcast v0, $0x3;
	v9 =	vld [tilespmem:s14+$0x54B0]  }
0x174: {  	v2 =	vadd.f32 v3, v2;
	v1 =	vmul.f32 v1, v7;
	v3 =	vmul.f32 v10, v8;
	v7 =	vld [tilespmem:s14+$0x22C0]  }
0x175: {  	v8 =	vbroadcast v0, $0x4;
	v10 =	vld [tilespmem:s14+$0x54C0]  }
0x176: {  	v1 =	vadd.f32 v1, v2;
	v2 =	vmul.f32 v3, v5;
	v3 =	vmul.f32 v11, v6;
	v5 =	vld [tilespmem:s14+$0x22D0]  }
0x177: {  	v6 =	vbroadcast v0, $0x5;
	v11 =	vld [tilespmem:s14+$0x54D0]  }
0x178: {  	v1 =	vadd.f32 v2, v1;
	v2 =	vmul.f32 v3, v8;
	v3 =	vmul.f32 v9, v4;
	v4 =	vld [tilespmem:s14+$0x22E0]  }
0x179: {  	v8 =	vbroadcast v0, $0x6;
	v9 =	vld [tilespmem:s14+$0x54E0]  }
0x17a: {  	v1 =	vadd.f32 v2, v1;
	v2 =	vmul.f32 v3, v6;
	v3 =	vmul.f32 v10, v7;
	v6 =	vld [tilespmem:s14+$0x22F0]  }
0x17b: {  	v7 =	vbroadcast v0, $0x7;
	v10 =	vld [tilespmem:s14+$0x54F0]  }
0x17c: {  	v1 =	vadd.f32 v2, v1;
	v2 =	vmul.f32 v3, v8;
	v3 =	vmul.f32 v11, v5;
	v5 =	vld [tilespmem:s14+$0x2300]  }
0x17d: {  	v8 =	vbroadcast v0, $0x8;
	v11 =	vld [tilespmem:s14+$0x5500]  }
0x17e: {  	v1 =	vadd.f32 v2, v1;
	v2 =	vmul.f32 v3, v7;
	v3 =	vmul.f32 v9, v4;
	v4 =	vld [tilespmem:s14+$0x2310]  }
0x17f: {  	v7 =	vbroadcast v0, $0x9;
	v9 =	vld [tilespmem:s14+$0x5510]  }
0x180: {  	v1 =	vadd.f32 v2, v1;
	v2 =	vmul.f32 v3, v8;
	v3 =	vmul.f32 v10, v6;
	v6 =	vld [tilespmem:s14+$0x2320]  }
0x181: {  	v8 =	vbroadcast v0, $0xA;
	v10 =	vld [tilespmem:s14+$0x5520]  }
0x182: {  	v1 =	vadd.f32 v2, v1;
	v2 =	vmul.f32 v3, v7;
	v3 =	vmul.f32 v11, v5;
	v11 =	vld [tilespmem:s14+$0x2330]  }
0x183: {  	v5 =	vbroadcast v0, $0xB;
	v12 =	vld [tilespmem:s14+$0x5530]  }
0x184: {  	v1 =	vadd.f32 v2, v1;
	v3 =	vmul.f32 v3, v8;
	v7 =	vmul.f32 v9, v4;
	v2 =	vld [tilespmem:s14+$0x2340]  }
.Ltmp5:
0x185: {  	v8 =	vbroadcast v0, $0xC;
	v4 =	vld [tilespmem:s14+$0x5540];
	(pc) =	sbr.rel @p1 .LBB2_9-.Ltmp5, $4  }
0x186: {  	v9 =	vadd.f32 v3, v1;
	v13 =	vmul.f32 v7, v5;
	v6 =	vmul.f32 v10, v6;
	v3 =	vld [tilespmem:s14+$0x2350]  }
0x187: {  	s15 =	sadd.s32 $0x10, s15;
	v7 =	vbroadcast v0, $0xD;
	v5 =	vld [tilespmem:s14+$0x5550]  }
0x188: {  	s14 =	sshra.s32 s16, $0x2;
	v1 =	vld [tilespmem:s15+$0x0];
	v9 =	vadd.f32 v13, v9;
	v10 =	vmul.f32 v6, v8;
	v11 =	vmul.f32 v12, v11  }
0x189: {  	s16 =	sadd.s32 $0x400, s16;
	v8 =	vbroadcast v0, $0xE;
	v6 =	vld [tilespmem:s14+$0x2260]  }
0x18a: {  	v12 =	vld [tilespmem:s14+$0x5460]  }
0x18b: {  	v9 =	vadd.f32 v10, v9;
	v7 =	vmul.f32 v11, v7;
	v2 =	vmul.f32 v4, v2;
	v18 =	vld [tilespmem:s14+$0x2270]  }
0x18c: {  	v0 =	vbroadcast v0, $0xF;
	v19 =	vld [tilespmem:s14+$0x5470]  }
0x18d: {  	v21 =	vld [tilespmem:s14+$0x2280];
	v3 =	vmul.f32 v5, v3;
	v20 =	vadd.f32 v7, v9;
	v2 =	vmul.f32 v2, v8  }
0x18e: {  	v22 =	vld [tilespmem:s14+$0x5480];
	v23 =	vbroadcast v1, $0x0  }
0x18f: {  	v24 =	vld [tilespmem:s14+$0x2290];
	v0 =	vmul.f32 v3, v0;
	v2 =	vadd.f32 v2, v20;
	v3 =	vmul.f32 v12, v6  }
0x190: {  	v26 =	vld [tilespmem:s14+$0x5490];
	v25 =	vbroadcast v1, $0x1  }
0x191: {  	v27 =	vld [tilespmem:s14+$0x22A0];
	v0 =	vadd.f32 v0, v2;
	v2 =	vmul.f32 v3, v23;
	v3 =	vmul.f32 v19, v18  }
0x192: {  	v29 =	vld [tilespmem:s14+$0x54A0];
	v28 =	vbroadcast v1, $0x2  }
0x193: {  	v30 =	vld [tilespmem:s14+$0x22B0];
	v0 =	vadd.f32 v2, v0;
	v2 =	vmul.f32 v3, v25;
	v3 =	vmul.f32 v22, v21  }
0x194: {  	v32 =	vld [tilespmem:s14+$0x54B0];
	v31 =	vbroadcast v1, $0x3  }
0x195: {  	v33 =	vld [tilespmem:s14+$0x22C0];
	v0 =	vadd.f32 v2, v0;
	v2 =	vmul.f32 v3, v28;
	v3 =	vmul.f32 v26, v24  }
0x196: {  	v35 =	vld [tilespmem:s14+$0x54C0];
	v34 =	vbroadcast v1, $0x4  }
0x197: {  	v36 =	vld [tilespmem:s14+$0x22D0];
	v0 =	vadd.f32 v2, v0;
	v2 =	vmul.f32 v3, v31;
	v3 =	vmul.f32 v29, v27  }
0x198: {  	v38 =	vld [tilespmem:s14+$0x54D0];
	v37 =	vbroadcast v1, $0x5  }
0x199: {  	v39 =	vld [tilespmem:s14+$0x22E0];
	v0 =	vadd.f32 v2, v0;
	v2 =	vmul.f32 v3, v34;
	v3 =	vmul.f32 v32, v30  }
0x19a: {  	v41 =	vld [tilespmem:s14+$0x54E0];
	v40 =	vbroadcast v1, $0x6  }
0x19b: {  	v42 =	vld [tilespmem:s14+$0x22F0];
	v0 =	vadd.f32 v2, v0;
	v2 =	vmul.f32 v3, v37;
	v3 =	vmul.f32 v35, v33  }
0x19c: {  	v44 =	vld [tilespmem:s14+$0x54F0];
	v43 =	vbroadcast v1, $0x7  }
0x19d: {  	v45 =	vld [tilespmem:s14+$0x2300];
	v0 =	vadd.f32 v2, v0;
	v2 =	vmul.f32 v3, v40;
	v3 =	vmul.f32 v38, v36  }
0x19e: {  	v47 =	vld [tilespmem:s14+$0x5500];
	v46 =	vbroadcast v1, $0x8  }
0x19f: {  	v48 =	vld [tilespmem:s14+$0x2310];
	v0 =	vadd.f32 v2, v0;
	v2 =	vmul.f32 v3, v43;
	v3 =	vmul.f32 v41, v39  }
0x1a0: {  	v50 =	vld [tilespmem:s14+$0x5510];
	v49 =	vbroadcast v1, $0x9  }
0x1a1: {  	v51 =	vld [tilespmem:s14+$0x2320];
	v0 =	vadd.f32 v2, v0;
	v2 =	vmul.f32 v3, v46;
	v3 =	vmul.f32 v44, v42  }
0x1a2: {  	v53 =	vld [tilespmem:s14+$0x5520];
	v52 =	vbroadcast v1, $0xA  }
0x1a3: {  	v54 =	vld [tilespmem:s14+$0x2330];
	v0 =	vadd.f32 v2, v0;
	v2 =	vmul.f32 v3, v49;
	v3 =	vmul.f32 v47, v45  }
0x1a4: {  	v56 =	vld [tilespmem:s14+$0x5530];
	v55 =	vbroadcast v1, $0xB  }
0x1a5: {  	v57 =	vld [tilespmem:s14+$0x2340];
	v0 =	vadd.f32 v2, v0;
	v2 =	vmul.f32 v3, v52;
	v3 =	vmul.f32 v50, v48  }
0x1a6: {  	v59 =	vld [tilespmem:s14+$0x5540];
	v58 =	vbroadcast v1, $0xC  }
0x1a7: {  	v60 =	vld [tilespmem:s14+$0x2350];
	v0 =	vadd.f32 v2, v0;
	v2 =	vmul.f32 v3, v55;
	v3 =	vmul.f32 v53, v51  }
0x1a8: {  	v62 =	vld [tilespmem:s14+$0x5550];
	v61 =	vbroadcast v1, $0xD  }
0x1a9: {  	v0 =	vadd.f32 v2, v0;
	v2 =	vmul.f32 v3, v58;
	v3 =	vmul.f32 v56, v54  }
0x1aa: {  	v63 =	vbroadcast v1, $0xE  }
0x1ab: {  	v0 =	vadd.f32 v2, v0;
	v2 =	vmul.f32 v3, v61;
	v3 =	vmul.f32 v59, v57  }
0x1ac: {  	v1 =	vbroadcast v1, $0xF  }
.Ltmp6:
0x1ad: {  	v0 =	vadd.f32 v2, v0;
	v2 =	vmul.f32 v3, v63;
	v3 =	vmul.f32 v62, v60;
	(pc) =	sbr.rel @p0 .LBB2_12-.Ltmp6, $3  }
0x1ae: {  	_ = 	snop  }
0x1af: {  	v0 =	vadd.f32 v2, v0;
	v1 =	vmul.f32 v3, v1;
	_ =	sdelay $0x1  }
0x1b0: {  	v1 =	vadd.f32 v1, v0  }
0x1b1: {  	s13 =	sadd.s32 s13, s19  }
0x1b2: {  	s13 =	smul.u32 $0x32, s13;
	_ =	sdelay $0x1  }
0x1b3: {  	s14 =	sadd.s32 s7, s13  }
0x1b4: {  	[tilespmem:s29], [sflag:$0x2] =	stream.linear.gather [hbm4b:s14+s2], $0x190, $0x38;
	[tilespmem:$0x1F410] =	vst v63  }
.Ltmp7:
0x1b5: {  	_ = 	snop;
	(pc) =	sbr.rel .LBB2_6-.Ltmp7, $4  }
0x1b6: {  	s17 =	sadd.s32 s8, s13  }
0x1b7: {  	[tilespmem:s31], [sflag:$0x2] =	stream.linear.gather [hbm4b:s17+s2], $0x190, $0x38;
	[tilespmem:$0x1F410] =	vst v63  }
0x1b8: {  	s12 =	sadd.s32 $0x1, s12;
	s13 =	sadd.s32 s6, s13  }
0x1b9: {  	[tilespmem:s0], [sflag:$0x2] =	stream.linear.gather [hbm4b:s13+s2], $0x190, $0x38;
	[tilespmem:$0x1F410] =	vst v63  }
.LBB2_13:
0x1ba: {  	_ =	sfence.sel $0x180000  }
0x1bb: {  	[bflag:$0x0] =	sbarrier.arrive $0xFFFF  }
0x1bc: {  	_ =	strace $0x90000047  }
0x1bd: {  	s0 =	stileid.u32;
	[bflag:$0x2] =	sbarrier.arrive $0xFFFF  }
0x1be: {  	p0 =	sne.s32 s0, $0x0;
	s0 =	rddreg [dreg:$0x2]  }
0x1bf: {  	s0 =	sadd.s32 @!p0 $0x100000, s0  }
0x1c0: {  	[sflag:s0] =	ssyncadd.tile.s32 @!p0 $0x1;
	_ =	shalt  }
.Lfunc_end2:
_tile_overlayer_lowered:
.L_overlay_start_2:
0x1c1: {  	(tag) =	ssettag $0x2  }
0x1c2: {  	s0 =	rddreg [dreg:$0x0];
	s2 =	stileid.u32  }
0x1c3: {  	s1 =	rddreg [dreg:$0x1];
	p0 =	sne.s32 s2, $0x0  }
0x1c4: {  	s3 =	rddreg [dreg:$0x2];
	[bflag:$0x3] =	sbarrier.arrive $0xFFFF;
	s2 =	simm.s32 @!p0 $0x1C06  }
0x1c5: {  	[timem:s3], [sflag:s2] =	dma.local @!p0 [hbm:s0], s1  }
0x1c6: {  	s0 =	simm.s32 @!p0 $0x6  }
0x1c7: {  	_ =	swait.ge @!p0 [sflag:s0], s1  }
0x1c8: {  	s1 =	ssub.s32 @!p0 $0x0, s1;
	[sflag:s0] =	ssyncset.done @!p0 $0x0  }
0x1c9: {  	[sflag:s0] =	ssyncadd.s32 @!p0 s1  }
0x1ca: {  	[bflag:$0x3] =	sbarrier.arrive $0xFFFF  }
0x1cb: {  	_ =	shalt  }

</sc_bundles>
